<compile_context>
chip_gen: v7x
topology: tpu7x:2x2x1
jax: 0.10.2.dev20260603
libtpu: 0.0.44.dev20260713+nightly
codegen_flags: <defaults>
</compile_context>

<pallas_src>
import functools

import jax
import jax.numpy as jnp
from jax import lax
from jax.experimental import pallas as pl
from jax.experimental.pallas import tpu as pltpu
from jax.experimental.pallas import tpu_sc as plsc

NC = 2
NS = 16
NW = NC * NS

SP = 24


@functools.lru_cache(maxsize=None)
def _make_emb(N: int, S: int, D: int):
    npw = N // NW
    assert npw % 2 == 0
    mesh = plsc.VectorSubcoreMesh(core_axis_name="c", subcore_axis_name="s")

    @functools.partial(
        pl.kernel,
        mesh=mesh,
        out_type=jax.ShapeDtypeStruct((N, SP, D), jnp.float32),
        scratch_types=[
            pltpu.VMEM((npw * SP,), jnp.int32),
            pltpu.VMEM((SP, D), jnp.float32),
            pltpu.VMEM((SP, D), jnp.float32),
            pltpu.SemaphoreType.DMA,
            pltpu.SemaphoreType.DMA,
            pltpu.SemaphoreType.DMA,
            pltpu.SemaphoreType.DMA,
        ],
    )
    def emb(table_hbm, idx_hbm, out_hbm, idx_v, b0, b1, g0, g1, s0, s1):
        wid = lax.axis_index("s") * NC + lax.axis_index("c")
        base = wid * npw
        bufs, gsem, ssem = (b0, b1), (g0, g1), (s0, s1)
        pltpu.sync_copy(idx_hbm.at[pl.ds(base * SP, npw * SP)], idx_v)

        def idx(c):
            return idx_v.at[pl.ds(c * SP, SP)]

        def g_start(c, b):
            pltpu.async_copy(table_hbm.at[idx(c)], bufs[b], gsem[b])

        def g_wait(c, b):
            pltpu.make_async_copy(table_hbm.at[idx(c)], bufs[b],
                                  gsem[b]).wait()

        g_start(0, 0)
        g_start(1, 1)

        def body(p, carry):
            for h in range(2):
                c = 2 * p + h
                b = h
                g_wait(c, b)
                pltpu.async_copy(bufs[b], out_hbm.at[base + c], ssem[b])
                pltpu.make_async_copy(bufs[b], out_hbm.at[base + c],
                                      ssem[b]).wait()

                @pl.when(p < npw // 2 - 1)
                def _():
                    g_start(c + 2, b)

            return carry

        lax.fori_loop(0, npw // 2, body, 0)

    return emb


def kernel(x, table):
    N, S = x.shape
    D = table.shape[1]
    xi = x.astype(jnp.int32)
    xe = jnp.concatenate([xi, xi[:, : SP - S]], axis=1).reshape(-1)
    big = _make_emb(N, S, D)(table, xe)
    return big[:, :S, :]

# --- scband reference (transcript-rebuilt; emitter-appended) ---
"""Pipeline reference for scband-simple-embedding-28363964023614 (READ-ONLY COPY).

The authoritative reference and input builder live on the scoring server;
editing this copy changes nothing except your own understanding.
"""

import jax, jax.numpy as jnp
import numpy as np

VOCAB = 262208
DIM = 2560

def setup_inputs(seed: int = 0) -> dict:
    key = jax.random.key(seed)
    k1, k2 = jax.random.split(key)
    x = jax.random.randint(k1, (1024, 20), 0, VOCAB, dtype=jnp.int32)
    table = jax.random.normal(k2, (VOCAB, DIM), dtype=jnp.float32)
    return {"x": x, "table": table}

def reference(x, table):
    # torch.nn.Embedding forward: row gather from the embedding table
    return jnp.take(table, x, axis=0)

if __name__ == "__main__":
    import jax
    _d = setup_inputs()
    print(jax.jit(kernel)(*tuple(_d.values())))

</pallas_src>

<mosaic_0001>
#map = affine_map<(d0, d1) -> (0, 0)>
#map1 = affine_map<(d0, d1) -> (0)>
#map2 = affine_map<(d0, d1) -> (0, 0, 0)>
module attributes {stable_mosaic.version = 14 : i64} {
  func.func @emb(%arg0: i32, %arg1: i32, %arg2: memref<262208x2560xf32, #tpu.memory_space<hbm>>, %arg3: memref<24576xi32, #tpu.memory_space<hbm>>, %arg4: memref<1024x24x2560xf32, #tpu.memory_space<hbm>>, %arg5: memref<768xi32, #tpu.memory_space<vmem>>, %arg6: memref<24x2560xf32, #tpu.memory_space<vmem>>, %arg7: memref<24x2560xf32, #tpu.memory_space<vmem>>, %arg8: memref<!tpu.dma_semaphore, #tpu.memory_space<semaphore_mem>>, %arg9: memref<!tpu.dma_semaphore, #tpu.memory_space<semaphore_mem>>, %arg10: memref<!tpu.dma_semaphore, #tpu.memory_space<semaphore_mem>>, %arg11: memref<!tpu.dma_semaphore, #tpu.memory_space<semaphore_mem>>) attributes {dimension_semantics = [#tpu.dimension_semantics<core_parallel>, #tpu.dimension_semantics<subcore_parallel>], iteration_bounds = array<i64: 2, 16>, scalar_prefetch = 0 : i64, scratch_operands = 7 : i64, tpu.core_type = #tpu.core_type<sc_vector_subcore>, window_params = [{transform_indices = #map}, {transform_indices = #map1}, {transform_indices = #map2}]} {
    %mul3A = arith.constant 2 : i32
    %mul3A_0 = arith.muli %arg1, %mul3A : i32
    %add3A = arith.addi %mul3A_0, %arg0 : i32
    %mul3A_1 = arith.constant 32 : i32
    %mul3A_2 = arith.muli %add3A, %mul3A_1 : i32
    %mul3A_3 = arith.constant 24 : i32
    %mul3A_4 = arith.muli %mul3A_2, %mul3A_3 : i32
    "tpu.region"() ({
      %run_scoped3A = tpu.sem_alloc : memref<!tpu.dma_semaphore, #tpu.memory_space<semaphore_mem>>
      %dma_start3A_19 = tpu.memref_slice %arg3[%mul3A_4] : memref<24576xi32, #tpu.memory_space<hbm>> -> memref<768xi32, #tpu.memory_space<hbm>>
      %dma_start3A_20 = tpu.memref_slice %arg3[%mul3A_4] : memref<24576xi32, #tpu.memory_space<hbm>> -> memref<768xi32, #tpu.memory_space<hbm>>
      tpu.enqueue_dma source(%dma_start3A_20 : memref<768xi32, #tpu.memory_space<hbm>>) target(%arg5 : memref<768xi32, #tpu.memory_space<vmem>>) target_semaphore(%run_scoped3A : memref<!tpu.dma_semaphore, #tpu.memory_space<semaphore_mem>>)
      %dma_wait3A = tpu.memref_slice %arg3[%mul3A_4] : memref<24576xi32, #tpu.memory_space<hbm>> -> memref<768xi32, #tpu.memory_space<hbm>>
      %dma_wait3A_21 = tpu.memref_slice %arg3[%mul3A_4] : memref<24576xi32, #tpu.memory_space<hbm>> -> memref<768xi32, #tpu.memory_space<hbm>>
      tpu.wait_dma2 semaphore(%run_scoped3A : memref<!tpu.dma_semaphore, #tpu.memory_space<semaphore_mem>>) src(%dma_wait3A_21 : memref<768xi32, #tpu.memory_space<hbm>>) dst(%arg5 : memref<768xi32, #tpu.memory_space<vmem>>)
      tpu.yield
    }) : () -> ()
    %dma_start3A = arith.constant 0 : i32
    %dma_start3A_5 = tpu.memref_slice %arg5[%dma_start3A] : memref<768xi32, #tpu.memory_space<vmem>> -> memref<24xi32, #tpu.memory_space<vmem>>
    %dma_start3A_6 = arith.constant 0 : i32
    %dma_start3A_7 = arith.constant 0 : i32
    %dma_start3A_8 = tpu.memref_slice %arg2[%dma_start3A_6, %dma_start3A_7] : memref<262208x2560xf32, #tpu.memory_space<hbm>> -> memref<262208x2560xf32, #tpu.memory_space<hbm>>
    tpu.enqueue_indirect_dma source(%dma_start3A_8 : memref<262208x2560xf32, #tpu.memory_space<hbm>>) target(%arg6 : memref<24x2560xf32, #tpu.memory_space<vmem>>) offsets(%dma_start3A_5 : memref<24xi32, #tpu.memory_space<vmem>>) semaphore(%arg8 : memref<!tpu.dma_semaphore, #tpu.memory_space<semaphore_mem>>)
    %dma_start3A_9 = arith.constant 24 : i32
    %dma_start3A_10 = tpu.memref_slice %arg5[%dma_start3A_9] : memref<768xi32, #tpu.memory_space<vmem>> -> memref<24xi32, #tpu.memory_space<vmem>>
    %dma_start3A_11 = arith.constant 0 : i32
    %dma_start3A_12 = arith.constant 0 : i32
    %dma_start3A_13 = tpu.memref_slice %arg2[%dma_start3A_11, %dma_start3A_12] : memref<262208x2560xf32, #tpu.memory_space<hbm>> -> memref<262208x2560xf32, #tpu.memory_space<hbm>>
    tpu.enqueue_indirect_dma source(%dma_start3A_13 : memref<262208x2560xf32, #tpu.memory_space<hbm>>) target(%arg7 : memref<24x2560xf32, #tpu.memory_space<vmem>>) offsets(%dma_start3A_10 : memref<24xi32, #tpu.memory_space<vmem>>) semaphore(%arg9 : memref<!tpu.dma_semaphore, #tpu.memory_space<semaphore_mem>>)
    %scan3A = arith.constant 0 : i32
    %scan3A_14 = arith.constant 0 : i32
    %scan3A_15 = arith.constant 16 : i32
    %scan3A_16 = arith.addi %scan3A_14, %scan3A_15 : i32
    %scan3A_17 = arith.constant 1 : i32
    scf.for %scan3A_19 = %scan3A_14 to %scan3A_16 step %scan3A_17  : i32 {
      %mul3A_20 = arith.constant 2 : i32
      %mul3A_21 = arith.muli %mul3A_20, %scan3A_19 : i32
      %add3A_22 = arith.constant 0 : i32
      %add3A_23 = arith.addi %mul3A_21, %add3A_22 : i32
      %mul3A_24 = arith.constant 24 : i32
      %mul3A_25 = arith.muli %add3A_23, %mul3A_24 : i32
      %dma_wait3A = tpu.memref_slice %arg5[%mul3A_25] : memref<768xi32, #tpu.memory_space<vmem>> -> memref<24xi32, #tpu.memory_space<vmem>>
      %dma_wait3A_26 = arith.constant 0 : i32
      %dma_wait3A_27 = arith.constant 0 : i32
      %dma_wait3A_28 = tpu.memref_slice %arg2[%dma_wait3A_26, %dma_wait3A_27] : memref<262208x2560xf32, #tpu.memory_space<hbm>> -> memref<262208x2560xf32, #tpu.memory_space<hbm>>
      tpu.wait_indirect_dma semaphore(%arg8 : memref<!tpu.dma_semaphore, #tpu.memory_space<semaphore_mem>>) src(%dma_wait3A_28 : memref<262208x2560xf32, #tpu.memory_space<hbm>>) dst(%arg6 : memref<24x2560xf32, #tpu.memory_space<vmem>>)
      %add3A_29 = arith.addi %mul3A_2, %add3A_23 : i32
      %dma_start3A_30 = arith.constant 0 : i32
      %dma_start3A_31 = arith.constant 0 : i32
      %dma_start3A_32 = tpu.memref_slice %arg4[%add3A_29, %dma_start3A_30, %dma_start3A_31] : memref<1024x24x2560xf32, #tpu.memory_space<hbm>> -> memref<1x24x2560xf32, #tpu.memory_space<hbm>>
      %dma_start3A_33 = tpu.memref_squeeze %dma_start3A_32 : memref<1x24x2560xf32, #tpu.memory_space<hbm>> -> memref<24x2560xf32, #tpu.memory_space<hbm>>
      %dma_start3A_34 = arith.constant 0 : i32
      %dma_start3A_35 = arith.constant 0 : i32
      %dma_start3A_36 = tpu.memref_slice %arg4[%add3A_29, %dma_start3A_34, %dma_start3A_35] : memref<1024x24x2560xf32, #tpu.memory_space<hbm>> -> memref<1x24x2560xf32, #tpu.memory_space<hbm>>
      %dma_start3A_37 = tpu.memref_squeeze %dma_start3A_36 : memref<1x24x2560xf32, #tpu.memory_space<hbm>> -> memref<24x2560xf32, #tpu.memory_space<hbm>>
      tpu.enqueue_dma source(%arg6 : memref<24x2560xf32, #tpu.memory_space<vmem>>) target(%dma_start3A_37 : memref<24x2560xf32, #tpu.memory_space<hbm>>) target_semaphore(%arg10 : memref<!tpu.dma_semaphore, #tpu.memory_space<semaphore_mem>>)
      %add3A_38 = arith.addi %mul3A_2, %add3A_23 : i32
      %dma_wait3A_39 = arith.constant 0 : i32
      %dma_wait3A_40 = arith.constant 0 : i32
      %dma_wait3A_41 = tpu.memref_slice %arg4[%add3A_38, %dma_wait3A_39, %dma_wait3A_40] : memref<1024x24x2560xf32, #tpu.memory_space<hbm>> -> memref<1x24x2560xf32, #tpu.memory_space<hbm>>
      %dma_wait3A_42 = tpu.memref_squeeze %dma_wait3A_41 : memref<1x24x2560xf32, #tpu.memory_space<hbm>> -> memref<24x2560xf32, #tpu.memory_space<hbm>>
      %dma_wait3A_43 = arith.constant 0 : i32
      %dma_wait3A_44 = arith.constant 0 : i32
      %dma_wait3A_45 = tpu.memref_slice %arg4[%add3A_38, %dma_wait3A_43, %dma_wait3A_44] : memref<1024x24x2560xf32, #tpu.memory_space<hbm>> -> memref<1x24x2560xf32, #tpu.memory_space<hbm>>
      %dma_wait3A_46 = tpu.memref_squeeze %dma_wait3A_45 : memref<1x24x2560xf32, #tpu.memory_space<hbm>> -> memref<24x2560xf32, #tpu.memory_space<hbm>>
      tpu.wait_dma2 semaphore(%arg10 : memref<!tpu.dma_semaphore, #tpu.memory_space<semaphore_mem>>) src(%arg6 : memref<24x2560xf32, #tpu.memory_space<vmem>>) dst(%dma_wait3A_46 : memref<24x2560xf32, #tpu.memory_space<hbm>>)
      %lt3A = arith.constant 15 : i32
      %lt3A_47 = arith.cmpi slt, %scan3A_19, %lt3A : i32
      %convert_element_type3A = arith.extui %lt3A_47 : i1 to i32
      %cond3A = arith.constant 0 : i32
      %cond3A_48 = arith.cmpi ne, %convert_element_type3A, %cond3A : i32
      scf.if %cond3A_48 {
        %add3A_82 = arith.constant 2 : i32
        %add3A_83 = arith.addi %add3A_23, %add3A_82 : i32
        %mul3A_84 = arith.constant 24 : i32
        %mul3A_85 = arith.muli %add3A_83, %mul3A_84 : i32
        %dma_start3A_86 = tpu.memref_slice %arg5[%mul3A_85] : memref<768xi32, #tpu.memory_space<vmem>> -> memref<24xi32, #tpu.memory_space<vmem>>
        %dma_start3A_87 = arith.constant 0 : i32
        %dma_start3A_88 = arith.constant 0 : i32
        %dma_start3A_89 = tpu.memref_slice %arg2[%dma_start3A_87, %dma_start3A_88] : memref<262208x2560xf32, #tpu.memory_space<hbm>> -> memref<262208x2560xf32, #tpu.memory_space<hbm>>
        tpu.enqueue_indirect_dma source(%dma_start3A_89 : memref<262208x2560xf32, #tpu.memory_space<hbm>>) target(%arg6 : memref<24x2560xf32, #tpu.memory_space<vmem>>) offsets(%dma_start3A_86 : memref<24xi32, #tpu.memory_space<vmem>>) semaphore(%arg8 : memref<!tpu.dma_semaphore, #tpu.memory_space<semaphore_mem>>)
      } else {
      }
      %mul3A_49 = arith.constant 2 : i32
      %mul3A_50 = arith.muli %mul3A_49, %scan3A_19 : i32
      %add3A_51 = arith.constant 1 : i32
      %add3A_52 = arith.addi %mul3A_50, %add3A_51 : i32
      %mul3A_53 = arith.constant 24 : i32
      %mul3A_54 = arith.muli %add3A_52, %mul3A_53 : i32
      %dma_wait3A_55 = tpu.memref_slice %arg5[%mul3A_54] : memref<768xi32, #tpu.memory_space<vmem>> -> memref<24xi32, #tpu.memory_space<vmem>>
      %dma_wait3A_56 = arith.constant 0 : i32
      %dma_wait3A_57 = arith.constant 0 : i32
      %dma_wait3A_58 = tpu.memref_slice %arg2[%dma_wait3A_56, %dma_wait3A_57] : memref<262208x2560xf32, #tpu.memory_space<hbm>> -> memref<262208x2560xf32, #tpu.memory_space<hbm>>
      tpu.wait_indirect_dma semaphore(%arg9 : memref<!tpu.dma_semaphore, #tpu.memory_space<semaphore_mem>>) src(%dma_wait3A_58 : memref<262208x2560xf32, #tpu.memory_space<hbm>>) dst(%arg7 : memref<24x2560xf32, #tpu.memory_space<vmem>>)
      %add3A_59 = arith.addi %mul3A_2, %add3A_52 : i32
      %dma_start3A_60 = arith.constant 0 : i32
      %dma_start3A_61 = arith.constant 0 : i32
      %dma_start3A_62 = tpu.memref_slice %arg4[%add3A_59, %dma_start3A_60, %dma_start3A_61] : memref<1024x24x2560xf32, #tpu.memory_space<hbm>> -> memref<1x24x2560xf32, #tpu.memory_space<hbm>>
      %dma_start3A_63 = tpu.memref_squeeze %dma_start3A_62 : memref<1x24x2560xf32, #tpu.memory_space<hbm>> -> memref<24x2560xf32, #tpu.memory_space<hbm>>
      %dma_start3A_64 = arith.constant 0 : i32
      %dma_start3A_65 = arith.constant 0 : i32
      %dma_start3A_66 = tpu.memref_slice %arg4[%add3A_59, %dma_start3A_64, %dma_start3A_65] : memref<1024x24x2560xf32, #tpu.memory_space<hbm>> -> memref<1x24x2560xf32, #tpu.memory_space<hbm>>
      %dma_start3A_67 = tpu.memref_squeeze %dma_start3A_66 : memref<1x24x2560xf32, #tpu.memory_space<hbm>> -> memref<24x2560xf32, #tpu.memory_space<hbm>>
      tpu.enqueue_dma source(%arg7 : memref<24x2560xf32, #tpu.memory_space<vmem>>) target(%dma_start3A_67 : memref<24x2560xf32, #tpu.memory_space<hbm>>) target_semaphore(%arg11 : memref<!tpu.dma_semaphore, #tpu.memory_space<semaphore_mem>>)
      %add3A_68 = arith.addi %mul3A_2, %add3A_52 : i32
      %dma_wait3A_69 = arith.constant 0 : i32
      %dma_wait3A_70 = arith.constant 0 : i32
      %dma_wait3A_71 = tpu.memref_slice %arg4[%add3A_68, %dma_wait3A_69, %dma_wait3A_70] : memref<1024x24x2560xf32, #tpu.memory_space<hbm>> -> memref<1x24x2560xf32, #tpu.memory_space<hbm>>
      %dma_wait3A_72 = tpu.memref_squeeze %dma_wait3A_71 : memref<1x24x2560xf32, #tpu.memory_space<hbm>> -> memref<24x2560xf32, #tpu.memory_space<hbm>>
      %dma_wait3A_73 = arith.constant 0 : i32
      %dma_wait3A_74 = arith.constant 0 : i32
      %dma_wait3A_75 = tpu.memref_slice %arg4[%add3A_68, %dma_wait3A_73, %dma_wait3A_74] : memref<1024x24x2560xf32, #tpu.memory_space<hbm>> -> memref<1x24x2560xf32, #tpu.memory_space<hbm>>
      %dma_wait3A_76 = tpu.memref_squeeze %dma_wait3A_75 : memref<1x24x2560xf32, #tpu.memory_space<hbm>> -> memref<24x2560xf32, #tpu.memory_space<hbm>>
      tpu.wait_dma2 semaphore(%arg11 : memref<!tpu.dma_semaphore, #tpu.memory_space<semaphore_mem>>) src(%arg7 : memref<24x2560xf32, #tpu.memory_space<vmem>>) dst(%dma_wait3A_76 : memref<24x2560xf32, #tpu.memory_space<hbm>>)
      %lt3A_77 = arith.constant 15 : i32
      %lt3A_78 = arith.cmpi slt, %scan3A_19, %lt3A_77 : i32
      %convert_element_type3A_79 = arith.extui %lt3A_78 : i1 to i32
      %cond3A_80 = arith.constant 0 : i32
      %cond3A_81 = arith.cmpi ne, %convert_element_type3A_79, %cond3A_80 : i32
      scf.if %cond3A_81 {
        %add3A_82 = arith.constant 2 : i32
        %add3A_83 = arith.addi %add3A_52, %add3A_82 : i32
        %mul3A_84 = arith.constant 24 : i32
        %mul3A_85 = arith.muli %add3A_83, %mul3A_84 : i32
        %dma_start3A_86 = tpu.memref_slice %arg5[%mul3A_85] : memref<768xi32, #tpu.memory_space<vmem>> -> memref<24xi32, #tpu.memory_space<vmem>>
        %dma_start3A_87 = arith.constant 0 : i32
        %dma_start3A_88 = arith.constant 0 : i32
        %dma_start3A_89 = tpu.memref_slice %arg2[%dma_start3A_87, %dma_start3A_88] : memref<262208x2560xf32, #tpu.memory_space<hbm>> -> memref<262208x2560xf32, #tpu.memory_space<hbm>>
        tpu.enqueue_indirect_dma source(%dma_start3A_89 : memref<262208x2560xf32, #tpu.memory_space<hbm>>) target(%arg7 : memref<24x2560xf32, #tpu.memory_space<vmem>>) offsets(%dma_start3A_86 : memref<24xi32, #tpu.memory_space<vmem>>) semaphore(%arg9 : memref<!tpu.dma_semaphore, #tpu.memory_space<semaphore_mem>>)
      } else {
      }
    }
    %scan3A_18 = arith.constant 16 : i32
    return
  }
}

</mosaic_0001>

<sc_bundles>
// kernel: kernel.3.cloned.1.call-start
scs
__scs_entry_jumppad:
0x0: {  	(pc) =	sbr.rel $0x88, $3  }
0x1: {  	(tag) =	ssettag $0x0;
	lr =	simm.s32 $0x1  }
0x2: {  	[smem:$0x3F9F] =	sst lr;
	_ =	strace $0xD0000000  }
0x3: {  	_ = 	snop  }
0x4: {  	_ = 	snop  }
0x5: {  	_ = 	snop  }
0x6: {  	_ = 	snop  }
0x7: {  	_ = 	snop  }
__scs_overlays_trampoline_lowered:
0x8: {  	[smem:$0x3FAE] =	sst s0  }
0x9: {  	[smem:$0x3FAF] =	sst s1  }
0xa: {  	[smem:$0x3FB0] =	sst s2  }
0xb: {  	[smem:$0x3FB1] =	sst s3  }
0xc: {  	[smem:$0x3FB2] =	sst s4  }
0xd: {  	[smem:$0x3FB3] =	sst s5  }
0xe: {  	[smem:$0x3FB4] =	sst s6  }
0xf: {  	[smem:$0x3FB5] =	sst s7  }
0x10: {  	[smem:$0x3FB6] =	sst s8  }
0x11: {  	[smem:$0x3FB7] =	sst s9;
	s0 =	simm.s32 @!p0 $0x0  }
0x12: {  	s1 =	sld [smem:$0x3F9D];
	s0 =	simm.s32 @p0 $0x1  }
0x13: {  	[smem:$0x3FB8] =	sst s0;
	s0 =	simm.s32 @!p1 $0x0  }
0x14: {  	s2 =	sld [smem:$0x3F9C];
	s0 =	simm.s32 @p1 $0x1  }
0x15: {  	[smem:$0x3FB9] =	sst s0;
	s0 =	simm.s32 @!p2 $0x0  }
0x16: {  	s3 =	sld [smem:$0x3FDB];
	s0 =	simm.s32 @p2 $0x1  }
0x17: {  	s4 =	simm.s32 $0x1BF5;
	[smem:$0x3FBB] =	sst s0  }
0x18: {  	s0 =	sld [smem:$0x3F9E];
	_ =	swait.ge [sflag:s4], $0x0  }
0x19: {  	s7 =	sld [smem:$0x3F9F]  }
0x1a: {  	s8 =	sadd.s32 $0xFFFFE003, lr  }
0x1b: {  	s9 =	sadd.s32 $0xFFFFFEF7, lr;
	s5 =	simm.s32 $0xFFFFFFFF;
	p2 =	slt.u32 s8, $0xFFFFF086  }
0x1c: {  	p1 =	slt.u32 s9, $0xF7A;
	s5 =	simm.s32 @!p2 $0x0  }
0x1d: {  	s5 =	simm.s32 @p1 $0x1;
	p0 =	seq.s32 s7, s2  }
0x1e: {  	s7 =	smul.u32 @!p0 $0xF7A, s2;
	p2 =	seq.s32 @!p0 s5, $0x0  }
0x1f: {  	s9 =	smul.u32 $0xF7A, s1;
	s8 =	simm.s32 @!p0 $0x1BF5;
	p2 =	por !p2, p0  }
0x20: {  	[sflag:s8] =	ssyncset.s32 @!p0 $0xFFFFF086;
	s6 =	sadd.s32 @!p0 s3, s7;
	s7 =	simm.s32 @!p0 $0x108  }
0x21: {  	s3 =	sadd.s32 s3, s9;
	s6 =	sadd.s32 @!p0 $0x88, s6;
	s7 =	simm.s32 @p2 $0x1082  }
0x22: {  	[simem:s7], [sflag:s8] =	dma.local @!p0 [hbm:s6], $0xF7A  }
0x23: {  	s9 =	sor.u32 $0xD0000000, s2;
	s6 =	simm.s32 $0x108;
	_ =	swait.ge @!p0 [sflag:s8], $0x0  }
0x24: {  	s3 =	sadd.s32 $0x88, s3;
	s6 =	simm.s32 @!p1 $0x1082;
	[sflag:s4] =	ssyncset.s32 $0xFFFFF086  }
0x25: {  	[simem:s6], [sflag:s4] =	dma.local [hbm:s3], $0xF7A  }
0x26: {  	[smem:$0x3F9F] =	sst s1;
	(tag) =	ssettag s2;
	_ =	strace s9  }
0x27: {  	s1 =	sld [smem:$0x3FAF]  }
0x28: {  	s2 =	sld [smem:$0x3FB0]  }
0x29: {  	s4 =	sld [smem:$0x3FB2]  }
0x2a: {  	p0 =	seq.s32 s5, $0x0;
	s5 =	sld [smem:$0x3FB3]  }
0x2b: {  	s6 =	sld [smem:$0x3FB4]  }
0x2c: {  	s7 =	sld [smem:$0x3FB5]  }
0x2d: {  	s3 =	simm.s32 $0x108;
	s8 =	sld [smem:$0x3FB6]  }
0x2e: {  	s3 =	simm.s32 @!p0 $0x1082;
	s9 =	sld [smem:$0x3FB7]  }
0x2f: {  	lr =	sadd.s32 s0, s3;
	s0 =	sld [smem:$0x3FAE]  }
0x30: {  	s3 =	sld [smem:$0x3FB1]  }
0x31: {  	[smem:$0x3FBA] =	sst s10  }
0x32: {  	s10 =	sld [smem:$0x3FB8];
	_ =	sdelay $0x3  }
0x33: {  	p0 =	seq.s32 s10, $0x1;
	s10 =	sld [smem:$0x3FBA];
	_ =	sdelay $0x3  }
0x34: {  	[smem:$0x3FBA] =	sst s10  }
0x35: {  	s10 =	sld [smem:$0x3FB9];
	_ =	sdelay $0x3  }
0x36: {  	p1 =	seq.s32 s10, $0x1;
	s10 =	sld [smem:$0x3FBA];
	_ =	sdelay $0x3  }
0x37: {  	[smem:$0x3FBA] =	sst s10  }
0x38: {  	s10 =	sld [smem:$0x3FBB]  }
0x39: {  	_ = 	snop;
	(pc) =	sbr.ind lr, $3  }
0x3a: {  	_ = 	snop  }
0x3b: {  	_ = 	snop  }
0x3c: {  	p2 =	seq.s32 s10, $0x1;
	s10 =	sld [smem:$0x3FBA]  }
0x3d: {  	_ =	shalt  }
0x3e: {  	_ =	shalt  }
0x3f: {  	_ =	shalt  }
0x40: {  	_ =	shalt  }
0x41: {  	_ =	shalt  }
0x42: {  	_ =	shalt  }
0x43: {  	_ =	shalt  }
0x44: {  	_ =	shalt  }
0x45: {  	_ =	shalt  }
0x46: {  	_ =	shalt  }
0x47: {  	_ =	shalt  }
0x48: {  	_ =	shalt  }
0x49: {  	_ =	shalt  }
0x4a: {  	_ =	shalt  }
0x4b: {  	_ =	shalt  }
0x4c: {  	_ =	shalt  }
0x4d: {  	_ =	shalt  }
0x4e: {  	_ =	shalt  }
0x4f: {  	_ =	shalt  }
0x50: {  	_ =	shalt  }
0x51: {  	_ =	shalt  }
0x52: {  	_ =	shalt  }
0x53: {  	_ =	shalt  }
0x54: {  	_ =	shalt  }
0x55: {  	_ =	shalt  }
0x56: {  	_ =	shalt  }
0x57: {  	_ =	shalt  }
0x58: {  	_ =	shalt  }
0x59: {  	_ =	shalt  }
0x5a: {  	_ =	shalt  }
0x5b: {  	_ =	shalt  }
0x5c: {  	_ =	shalt  }
0x5d: {  	_ =	shalt  }
0x5e: {  	_ =	shalt  }
0x5f: {  	_ =	shalt  }
0x60: {  	_ =	shalt  }
0x61: {  	_ =	shalt  }
0x62: {  	_ =	shalt  }
0x63: {  	_ =	shalt  }
0x64: {  	_ =	shalt  }
0x65: {  	_ =	shalt  }
0x66: {  	_ =	shalt  }
0x67: {  	_ =	shalt  }
0x68: {  	_ =	shalt  }
0x69: {  	_ =	shalt  }
0x6a: {  	_ =	shalt  }
0x6b: {  	_ =	shalt  }
0x6c: {  	_ =	shalt  }
0x6d: {  	_ =	shalt  }
0x6e: {  	_ =	shalt  }
0x6f: {  	_ =	shalt  }
0x70: {  	_ =	shalt  }
0x71: {  	_ =	shalt  }
0x72: {  	_ =	shalt  }
0x73: {  	_ =	shalt  }
0x74: {  	_ =	shalt  }
0x75: {  	_ =	shalt  }
0x76: {  	_ =	shalt  }
0x77: {  	_ =	shalt  }
0x78: {  	_ =	shalt  }
0x79: {  	_ =	shalt  }
0x7a: {  	_ =	shalt  }
0x7b: {  	_ =	shalt  }
0x7c: {  	_ =	shalt  }
0x7d: {  	_ =	shalt  }
0x7e: {  	_ =	shalt  }
0x7f: {  	_ =	shalt  }
0x80: {  	_ =	shalt  }
0x81: {  	_ =	shalt  }
0x82: {  	_ =	shalt  }
0x83: {  	_ =	shalt  }
0x84: {  	_ =	shalt  }
0x85: {  	_ =	shalt  }
0x86: {  	_ =	shalt  }
0x87: {  	_ =	shalt  }
.Lfunc_end0:
.L_simem_size_0:
called_computation.1_lowered:
.L_overlay_start_0:
0x88: {  	s2 =	sld [smem:$0x3FD9]  }
0x89: {  	s3 =	sld [smem:$0x3FFE];
	_ =	sdelay $0x1  }
0x8a: {  	s1 =	srdreg.scid  }
0x8b: {  	s0 =	sand.u32 $0x1, s1  }
0x8c: {  	s17 =	sshll.u32 s0, $0xA;
	s2 =	sadd.s32 s3, s2  }
0x8d: {  	s2 =	sadd.s32 s2, s17  }
0x8e: {  	[smem:$0x3FC6] =	sst s2  }
0x8f: {  	_ = 	snop  }
0x90: {  	s2 =	sld [smem:$0x3FC8]  }
0x91: {  	s18 =	sld [smem:$0x3FD0];
	(tm) =	ssettm $0x1  }
0x92: {  	s4 =	sld [smem:$0x3FFB];
	_ =	sdelay $0x3  }
0x93: {  	_ =	strace s4  }
0x94: {  	s4 =	sld [smem:$0x3FFC];
	_ =	sdelay $0x3  }
0x95: {  	_ =	strace s4  }
0x96: {  	s4 =	sld [smem:$0x3FFD];
	_ =	sdelay $0x3  }
0x97: {  	_ =	strace s4  }
0x98: {  	_ =	strace $0x8FFFFFFF  }
0x99: {  	s19 =	sld [smem:$0x3FDB];
	_ =	sdelay $0x1  }
0x9a: {  	s5 =	simm.s32 $_scs_section_size  }
0x9b: {  	s6 =	simm.s32 $_size__tile_overlayer_lowered;
	s7 =	simm.s32 $_tile_overlayer_lowered  }
0x9c: {  	s22 =	simm.s32 $0x1BFF;
	s21 =	sshll.u32 s7, $0x1;
	s4 =	sadd.s32 s5, s19  }
0x9d: {  	s8 =	simm.s32 $0x0;
	s20 =	sshll.u32 s6, $0x1;
	s6 =	sadd.s32 s21, s4  }
0x9e: {  	[timem:s8], [sflag:s22] =	dma.local [hbm:s6], s20  }
0x9f: {  	_ =	swait.ge [sflag:s22], s20  }
0xa0: {  	s5 =	ssub.s32 $0x0, s20;
	[sflag:s22] =	ssyncset.done $0x0  }
0xa1: {  	[sflag:s22] =	ssyncadd.s32 s5;
	_ =	sdelay $0x1  }
0xa2: {  	s23 =	simm.s32 $0x1B8B  }
0xa3: {  	_ =	swait.ge [sflag:s23], $0x1  }
0xa4: {  	[sflag:s23] =	ssyncset.done $0x0  }
0xa5: {  	s25 =	simm.s32 $0x1B8E;
	s24 =	sld [smem:$0x3FFE];
	[sflag:s23] =	ssyncadd.s32 $0xFFFFFFFF  }
0xa6: {  	s26 =	simm.s32 $execute0_lowered;
	[smem:$0x3FD2] =	sst s25  }
0xa7: {  	s6 =	sshll.u32 s26, $0x1;
	_ =	strace $0x80000046;
	[dreg:$0x1] =	wrdreg $0xFFFFFFFF  }
0xa8: {  	s28 =	simm.s32 $_size_execute0_lowered;
	s4 =	sadd.s32 s4, s6;
	[dreg:$0x0] =	wrdreg $0x0  }
0xa9: {  	s6 =	sshll.u32 s28, $0x1;
	[dreg:$0x2] =	wrdreg s4  }
0xaa: {  	[dreg:$0x3] =	wrdreg s6  }
0xab: {  	[dreg:$0x4] =	wrdreg $0xC0  }
0xac: {  	_ =	task [dreg:s8], $0x5FFFF  }
0xad: {  	[dreg:$0x1] =	wrdreg $0xFFFFFFFF  }
0xae: {  	[dreg:$0x0] =	wrdreg $0x60  }
0xaf: {  	[dreg:$0x2] =	wrdreg s2  }
0xb0: {  	[dreg:$0x3] =	wrdreg s18  }
0xb1: {  	[dreg:$0x4] =	wrdreg s24  }
0xb2: {  	[dreg:$0x5] =	wrdreg $0x9  }
0xb3: {  	_ =	task.clear_ibuf [dreg:s8], $0x6FFFF;
	_ =	strace $0x90000046  }
0xb4: {  	s29 =	simm.s32 $0x9;
	_ =	strace $0x80000048  }
0xb5: {  	_ =	swait.ge [sflag:s29], $0x1  }
0xb6: {  	[sflag:s29] =	ssyncadd.s32 $0xFFFFFFFF  }
0xb7: {  	_ =	strace $0x90000048  }
0xb8: {  	_ =	sfence  }
0xb9: {  	s30 =	sld [smem:$0x0];
	_ =	sdelay $0x2  }
0xba: {  	s31 =	sshll.u32 s1, $0xD;
	s1 =	sshrl.u32 s1, $0x2  }
0xbb: {  	s3 =	sand.u32 $0x4000, s31;
	s1 =	sadd.s32 s1, s30  }
0xbc: {  	s0 =	sor.u32 s3, s0;
	s1 =	sshll.u32 s1, $0x11  }
0xbd: {  	s0 =	sor.u32 s1, s0  }
0xbe: {  	s0 =	sadd.s32 $0x8F2B, s0  }
0xbf: {  	[sflag:s0] =	ssyncadd.remote.s32 $0x1  }
0xc0: {  	_ =	sfence.sel $0xFFFF  }
0xc1: {  	[dreg:$0x0] =	wrdreg $0xFFFFFFFF;
	(pc) =	sbr.abs _section_cstart, $3  }
0xc2: {  	[dreg:$0x1] =	wrdreg $0xFFFFFFFF  }
0xc3: {  	_ =	task.clear_ibuf [dreg:s8], $0x2FFFF;
	_ =	strace $0x9FFFFFFF  }
0xc4: {  	(tm) =	ssettm $0x7FFFFFFF  }
0xc5: {  	_ =	shalt  }
tec
execute0_lowered:
.L_overlay_start_1:
0x0: {  	(tag) =	ssettag $0x1  }
0x1: {  	s2 =	rddreg [dreg:$0x0]  }
0x2: {  	s0 =	rddreg [dreg:$0x1]  }
0x3: {  	s1 =	rddreg [dreg:$0x2]  }
0x4: {  	s6 =	stileid.u32;
	s3 =	srdreg.scid;
	s17 =	simm.s32 $0x300  }
0x5: {  	s30 =	simm.s32 $0xF300;
	s16 =	simm.s32 $0x1AB00;
	s18 =	simm.s32 $0x1B300  }
0x6: {  	s19 =	simm.s32 $0x1BB00;
	s20 =	simm.s32 $0x1C300;
	s21 =	simm.s32 $0x1CB00  }
0x7: {  	s22 =	simm.s32 $0x1D300;
	s23 =	simm.s32 $0x1DB00;
	s24 =	simm.s32 $0x1  }
0x8: {  	s28 =	simm.s32 $0x4;
	s29 =	simm.s32 $0x0;
	s4 =	sand.u32 $0x1, s3  }
0x9: {  	s5 =	sshll.u32 s6, $0x1;
	s3 =	simm.s32 $0x0;
	s6 =	smul.u32 $0x78000, s6  }
0xa: {  	s8 =	sadd.s32 $0x400, s2;
	s9 =	sadd.s32 $0x500, s2;
	s10 =	sadd.s32 $0x600, s2  }
0xb: {  	s11 =	sadd.s32 $0x700, s2;
	s12 =	sadd.s32 $0x800, s2;
	s13 =	sadd.s32 $0x900, s2  }
0xc: {  	s5 =	sor.u32 s4, s5;
	[smem:$0x7FF] =	sst s3;
	s26 =	smul.u32 $0x3C000, s4  }
0xd: {  	s7 =	ssub.s32 $0x2, s4;
	s4 =	simm.s32 $0x19B00;
	s5 =	smul.u32 $0x60, s5  }
0xe: {  	_ =	strace $0x80000047;
	s1 =	sadd.s32 s6, s1;
	s25 =	sshrl.u32 s7, $0x1  }
.Ltmp0:
0xf: {  	s6 =	sadd.s32 $0x200, s2;
	s14 =	ssub.s32 s7, s25;
	(pc) =	sbr.rel .LBB2_1-.Ltmp0, $4  }
0x10: {  	s7 =	sadd.s32 $0x300, s2;
	s25 =	simm.s32 $0x3;
	s0 =	sadd.s32 s0, s5  }
0x11: {  	v2 =	vlaneseq.u32;
	s5 =	sadd.s32 $0x100, s2;
	s31 =	smax.u32 s14, $0x1;
	[dreg:$0x4] =	wrdreg s0  }
0x12: {  	vm0 =	vmmov $0xffff;
	v1 =	vshrl.u32 v2, $0x3;
	s14 =	simm.s32 $0x1A300;
	s0 =	sadd.s32 s26, s1;
	[dreg:$0x5] =	wrdreg s31  }
0x13: {  	v0 =	vand.u32 $0x7, v2;
	v2 =	vor.u32 $0x8, v2;
	v1 =	vmul.u32 $0x8, v1;
	s1 =	simm.s32 $0xFB00;
	s26 =	simm.s32 $0x2;
	s15 =	sadd.s32 $0x800, s0  }
.LBB2_6:
0x14: {  	s29 =	rddreg [dreg:$0x6]  }
0x15: {  	s0 =	rddreg [dreg:$0x5];
	s29 =	sadd.s32 $0x1, s29  }
0x16: {  	p0 =	sne.s32 s29, s0  }
.Ltmp1:
0x17: {  	_ = 	snop;
	(pc) =	sbr.rel @!p0 .LBB2_7-.Ltmp1, $1  }
0x18: {  	_ =	sdelay $0x3  }
.LBB2_1:
0x19: {  	s0 =	rddreg [dreg:$0x4]  }
0x1a: {  	[tilespmem:s3], [sflag:$0x5] =	stream.linear.gather [hbm4b:s0+s3], $0x300, $0x38;
	[tilespmem:$0x1E300] =	vst v63  }
0x1b: {  	[dreg:$0x6] =	wrdreg s29;
	s0 =	simm.s32 $0x5  }
0x1c: {  	_ =	swait.ge [sflag:s0], $0x300  }
0x1d: {  	[sflag:s0] =	ssyncset.done $0x0  }
0x1e: {  	[sflag:s0] =	ssyncadd.s32 $0xFFFFFD00  }
0x1f: {  	v3 =	vld [tilespmem:$0x0];
	_ =	sdelay $0x4  }
0x20: {  	v4 =	vshrl.u32 v3, $0x3  }
0x21: {  	v4 =	vmul.u32 $0xA0, v4  }
0x22: {  	v3 =	vand.u32 $0x7, v3  }
0x23: {  	v3 =	vor.u32 v3, v4  }
0x24: {  	v4 =	vperm.xlane v3, v0;
	_ =	sdelay $0x1  }
0x25: {  	v4 =	vadd.s32 v1, v4;
	_ =	sdelay $0x4  }
0x26: {  	[tilespmem:s17], [sflag:$0x1] =	stream.indirect_vreg.gather [hbm4b:s2+s3], $0x80, v4, vm0, $0xb8;
	[tilespmem:$0x1E300] =	vst v63  }
0x27: {  	s0 =	simm.s32 $0xB00  }
0x28: {  	[tilespmem:s0], [sflag:$0x1] =	stream.indirect_vreg.gather [hbm4b:s5+s3], $0x80, v4, vm0, $0xb8;
	[tilespmem:$0x1E300] =	vst v63  }
0x29: {  	s0 =	simm.s32 $0x1300  }
0x2a: {  	[tilespmem:s0], [sflag:$0x1] =	stream.indirect_vreg.gather [hbm4b:s6+s3], $0x80, v4, vm0, $0xb8;
	[tilespmem:$0x1E300] =	vst v63  }
0x2b: {  	s0 =	simm.s32 $0x1B00  }
0x2c: {  	[tilespmem:s0], [sflag:$0x1] =	stream.indirect_vreg.gather [hbm4b:s7+s3], $0x80, v4, vm0, $0xb8;
	[tilespmem:$0x1E300] =	vst v63  }
0x2d: {  	s0 =	simm.s32 $0x2300  }
0x2e: {  	[tilespmem:s0], [sflag:$0x1] =	stream.indirect_vreg.gather [hbm4b:s8+s3], $0x80, v4, vm0, $0xb8;
	[tilespmem:$0x1E300] =	vst v63  }
0x2f: {  	s0 =	simm.s32 $0x2B00  }
0x30: {  	[tilespmem:s0], [sflag:$0x1] =	stream.indirect_vreg.gather [hbm4b:s9+s3], $0x80, v4, vm0, $0xb8;
	[tilespmem:$0x1E300] =	vst v63  }
0x31: {  	s0 =	simm.s32 $0x3300  }
0x32: {  	[tilespmem:s0], [sflag:$0x1] =	stream.indirect_vreg.gather [hbm4b:s10+s3], $0x80, v4, vm0, $0xb8;
	[tilespmem:$0x1E300] =	vst v63  }
0x33: {  	v3 =	vperm.xlane v3, v2;
	s0 =	simm.s32 $0x3B00  }
0x34: {  	[tilespmem:s0], [sflag:$0x1] =	stream.indirect_vreg.gather [hbm4b:s11+s3], $0x80, v4, vm0, $0xb8;
	[tilespmem:$0x1E300] =	vst v63  }
0x35: {  	v3 =	vadd.s32 v1, v3;
	s0 =	simm.s32 $0x4300  }
0x36: {  	[tilespmem:s0], [sflag:$0x1] =	stream.indirect_vreg.gather [hbm4b:s12+s3], $0x80, v4, vm0, $0xb8;
	[tilespmem:$0x1E300] =	vst v63  }
0x37: {  	s0 =	simm.s32 $0x4B00  }
0x38: {  	[tilespmem:s0], [sflag:$0x1] =	stream.indirect_vreg.gather [hbm4b:s13+s3], $0x80, v4, vm0, $0xb8;
	[tilespmem:$0x1E300] =	vst v63  }
0x39: {  	s0 =	simm.s32 $0x5300  }
0x3a: {  	[tilespmem:s0], [sflag:$0x1] =	stream.indirect_vreg.gather [hbm4b:s2+s3], $0x80, v3, vm0, $0xb8;
	[tilespmem:$0x1E300] =	vst v63  }
0x3b: {  	s0 =	simm.s32 $0x5B00  }
0x3c: {  	[tilespmem:s0], [sflag:$0x1] =	stream.indirect_vreg.gather [hbm4b:s5+s3], $0x80, v3, vm0, $0xb8;
	[tilespmem:$0x1E300] =	vst v63  }
0x3d: {  	s0 =	simm.s32 $0x6300  }
0x3e: {  	[tilespmem:s0], [sflag:$0x1] =	stream.indirect_vreg.gather [hbm4b:s6+s3], $0x80, v3, vm0, $0xb8;
	[tilespmem:$0x1E300] =	vst v63  }
0x3f: {  	s0 =	simm.s32 $0x6B00  }
0x40: {  	[tilespmem:s0], [sflag:$0x1] =	stream.indirect_vreg.gather [hbm4b:s7+s3], $0x80, v3, vm0, $0xb8;
	[tilespmem:$0x1E300] =	vst v63  }
0x41: {  	s0 =	simm.s32 $0x7300  }
0x42: {  	[tilespmem:s0], [sflag:$0x1] =	stream.indirect_vreg.gather [hbm4b:s8+s3], $0x80, v3, vm0, $0xb8;
	[tilespmem:$0x1E300] =	vst v63  }
0x43: {  	s0 =	simm.s32 $0x7B00  }
0x44: {  	[tilespmem:s0], [sflag:$0x1] =	stream.indirect_vreg.gather [hbm4b:s9+s3], $0x80, v3, vm0, $0xb8;
	[tilespmem:$0x1E300] =	vst v63  }
0x45: {  	s0 =	simm.s32 $0x8300  }
0x46: {  	[tilespmem:s0], [sflag:$0x1] =	stream.indirect_vreg.gather [hbm4b:s10+s3], $0x80, v3, vm0, $0xb8;
	[tilespmem:$0x1E300] =	vst v63  }
0x47: {  	s0 =	simm.s32 $0x8B00  }
0x48: {  	[tilespmem:s0], [sflag:$0x1] =	stream.indirect_vreg.gather [hbm4b:s11+s3], $0x80, v3, vm0, $0xb8;
	[tilespmem:$0x1E300] =	vst v63  }
0x49: {  	s0 =	simm.s32 $0x9300  }
0x4a: {  	[tilespmem:s0], [sflag:$0x1] =	stream.indirect_vreg.gather [hbm4b:s12+s3], $0x80, v3, vm0, $0xb8;
	[tilespmem:$0x1E300] =	vst v63  }
0x4b: {  	s0 =	simm.s32 $0x9B00  }
0x4c: {  	[tilespmem:s0], [sflag:$0x1] =	stream.indirect_vreg.gather [hbm4b:s13+s3], $0x80, v3, vm0, $0xb8;
	[tilespmem:$0x1E300] =	vst v63  }
0x4d: {  	v3 =	vld.msk [tilespmem:$0x10], $0xff;
	_ =	sdelay $0x4  }
0x4e: {  	v61 =	vshrl.u32 v3, $0x3  }
0x4f: {  	v4 =	vmul.u32 $0xA0, v61  }
0x50: {  	v3 =	vand.u32 $0x7, v3  }
0x51: {  	v3 =	vor.u32 v3, v4  }
0x52: {  	v3 =	vperm.xlane v3, v0;
	_ =	sdelay $0x1  }
0x53: {  	v3 =	vadd.s32 v1, v3;
	_ =	sdelay $0x3  }
0x54: {  	s0 =	simm.s32 $0xA300  }
0x55: {  	[tilespmem:s0], [sflag:$0x1] =	stream.indirect_vreg.gather [hbm4b:s2+s3], $0x80, v3, vm0, $0xb8;
	[tilespmem:$0x1E300] =	vst v63  }
0x56: {  	s0 =	simm.s32 $0xAB00  }
0x57: {  	[tilespmem:s0], [sflag:$0x1] =	stream.indirect_vreg.gather [hbm4b:s5+s3], $0x80, v3, vm0, $0xb8;
	[tilespmem:$0x1E300] =	vst v63  }
0x58: {  	s0 =	simm.s32 $0xB300  }
0x59: {  	[tilespmem:s0], [sflag:$0x1] =	stream.indirect_vreg.gather [hbm4b:s6+s3], $0x80, v3, vm0, $0xb8;
	[tilespmem:$0x1E300] =	vst v63  }
0x5a: {  	s0 =	simm.s32 $0xBB00  }
0x5b: {  	[tilespmem:s0], [sflag:$0x1] =	stream.indirect_vreg.gather [hbm4b:s7+s3], $0x80, v3, vm0, $0xb8;
	[tilespmem:$0x1E300] =	vst v63  }
0x5c: {  	s0 =	simm.s32 $0xC300  }
0x5d: {  	[tilespmem:s0], [sflag:$0x1] =	stream.indirect_vreg.gather [hbm4b:s8+s3], $0x80, v3, vm0, $0xb8;
	[tilespmem:$0x1E300] =	vst v63  }
0x5e: {  	s0 =	simm.s32 $0xCB00  }
0x5f: {  	[tilespmem:s0], [sflag:$0x1] =	stream.indirect_vreg.gather [hbm4b:s9+s3], $0x80, v3, vm0, $0xb8;
	[tilespmem:$0x1E300] =	vst v63  }
0x60: {  	s0 =	simm.s32 $0xD300  }
0x61: {  	[tilespmem:s0], [sflag:$0x1] =	stream.indirect_vreg.gather [hbm4b:s10+s3], $0x80, v3, vm0, $0xb8;
	[tilespmem:$0x1E300] =	vst v63  }
0x62: {  	s0 =	simm.s32 $0xDB00  }
0x63: {  	[tilespmem:s0], [sflag:$0x1] =	stream.indirect_vreg.gather [hbm4b:s11+s3], $0x80, v3, vm0, $0xb8;
	[tilespmem:$0x1E300] =	vst v63  }
0x64: {  	s0 =	simm.s32 $0xE300  }
0x65: {  	[tilespmem:s0], [sflag:$0x1] =	stream.indirect_vreg.gather [hbm4b:s12+s3], $0x80, v3, vm0, $0xb8;
	[tilespmem:$0x1E300] =	vst v63  }
0x66: {  	s0 =	simm.s32 $0xEB00  }
0x67: {  	[tilespmem:s0], [sflag:$0x1] =	stream.indirect_vreg.gather [hbm4b:s13+s3], $0x80, v3, vm0, $0xb8;
	[tilespmem:$0x1E300] =	vst v63  }
0x68: {  	v3 =	vld [tilespmem:$0x18];
	_ =	sdelay $0x4  }
0x69: {  	v62 =	vshrl.u32 v3, $0x3  }
0x6a: {  	v4 =	vmul.u32 $0xA0, v62  }
0x6b: {  	v3 =	vand.u32 $0x7, v3  }
0x6c: {  	v3 =	vor.u32 v3, v4  }
0x6d: {  	v4 =	vperm.xlane v3, v0;
	_ =	sdelay $0x1  }
0x6e: {  	v4 =	vadd.s32 v1, v4;
	_ =	sdelay $0x4  }
0x6f: {  	[tilespmem:s30], [sflag:$0x2] =	stream.indirect_vreg.gather [hbm4b:s2+s3], $0x80, v4, vm0, $0xb8;
	[tilespmem:$0x1E300] =	vst v63  }
0x70: {  	_ = 	snop  }
0x71: {  	[tilespmem:s1], [sflag:$0x2] =	stream.indirect_vreg.gather [hbm4b:s5+s3], $0x80, v4, vm0, $0xb8;
	[tilespmem:$0x1E300] =	vst v63  }
0x72: {  	s0 =	simm.s32 $0x10300  }
0x73: {  	[tilespmem:s0], [sflag:$0x2] =	stream.indirect_vreg.gather [hbm4b:s6+s3], $0x80, v4, vm0, $0xb8;
	[tilespmem:$0x1E300] =	vst v63  }
0x74: {  	s0 =	simm.s32 $0x10B00  }
0x75: {  	[tilespmem:s0], [sflag:$0x2] =	stream.indirect_vreg.gather [hbm4b:s7+s3], $0x80, v4, vm0, $0xb8;
	[tilespmem:$0x1E300] =	vst v63  }
0x76: {  	s0 =	simm.s32 $0x11300  }
0x77: {  	[tilespmem:s0], [sflag:$0x2] =	stream.indirect_vreg.gather [hbm4b:s8+s3], $0x80, v4, vm0, $0xb8;
	[tilespmem:$0x1E300] =	vst v63  }
0x78: {  	s0 =	simm.s32 $0x11B00  }
0x79: {  	[tilespmem:s0], [sflag:$0x2] =	stream.indirect_vreg.gather [hbm4b:s9+s3], $0x80, v4, vm0, $0xb8;
	[tilespmem:$0x1E300] =	vst v63  }
0x7a: {  	s0 =	simm.s32 $0x12300  }
0x7b: {  	[tilespmem:s0], [sflag:$0x2] =	stream.indirect_vreg.gather [hbm4b:s10+s3], $0x80, v4, vm0, $0xb8;
	[tilespmem:$0x1E300] =	vst v63  }
0x7c: {  	v3 =	vperm.xlane v3, v2;
	s0 =	simm.s32 $0x12B00  }
0x7d: {  	[tilespmem:s0], [sflag:$0x2] =	stream.indirect_vreg.gather [hbm4b:s11+s3], $0x80, v4, vm0, $0xb8;
	[tilespmem:$0x1E300] =	vst v63  }
0x7e: {  	v3 =	vadd.s32 v1, v3;
	s0 =	simm.s32 $0x13300  }
0x7f: {  	[tilespmem:s0], [sflag:$0x2] =	stream.indirect_vreg.gather [hbm4b:s12+s3], $0x80, v4, vm0, $0xb8;
	[tilespmem:$0x1E300] =	vst v63  }
0x80: {  	s0 =	simm.s32 $0x13B00  }
0x81: {  	[tilespmem:s0], [sflag:$0x2] =	stream.indirect_vreg.gather [hbm4b:s13+s3], $0x80, v4, vm0, $0xb8;
	[tilespmem:$0x1E300] =	vst v63  }
0x82: {  	s0 =	simm.s32 $0x14300  }
0x83: {  	[tilespmem:s0], [sflag:$0x2] =	stream.indirect_vreg.gather [hbm4b:s2+s3], $0x80, v3, vm0, $0xb8;
	[tilespmem:$0x1E300] =	vst v63  }
0x84: {  	s0 =	simm.s32 $0x14B00  }
0x85: {  	[tilespmem:s0], [sflag:$0x2] =	stream.indirect_vreg.gather [hbm4b:s5+s3], $0x80, v3, vm0, $0xb8;
	[tilespmem:$0x1E300] =	vst v63  }
0x86: {  	s0 =	simm.s32 $0x15300  }
0x87: {  	[tilespmem:s0], [sflag:$0x2] =	stream.indirect_vreg.gather [hbm4b:s6+s3], $0x80, v3, vm0, $0xb8;
	[tilespmem:$0x1E300] =	vst v63  }
0x88: {  	s0 =	simm.s32 $0x15B00  }
0x89: {  	[tilespmem:s0], [sflag:$0x2] =	stream.indirect_vreg.gather [hbm4b:s7+s3], $0x80, v3, vm0, $0xb8;
	[tilespmem:$0x1E300] =	vst v63  }
0x8a: {  	s0 =	simm.s32 $0x16300  }
0x8b: {  	[tilespmem:s0], [sflag:$0x2] =	stream.indirect_vreg.gather [hbm4b:s8+s3], $0x80, v3, vm0, $0xb8;
	[tilespmem:$0x1E300] =	vst v63  }
0x8c: {  	s0 =	simm.s32 $0x16B00  }
0x8d: {  	[tilespmem:s0], [sflag:$0x2] =	stream.indirect_vreg.gather [hbm4b:s9+s3], $0x80, v3, vm0, $0xb8;
	[tilespmem:$0x1E300] =	vst v63  }
0x8e: {  	s0 =	simm.s32 $0x17300  }
0x8f: {  	[tilespmem:s0], [sflag:$0x2] =	stream.indirect_vreg.gather [hbm4b:s10+s3], $0x80, v3, vm0, $0xb8;
	[tilespmem:$0x1E300] =	vst v63  }
0x90: {  	s0 =	simm.s32 $0x17B00  }
0x91: {  	[tilespmem:s0], [sflag:$0x2] =	stream.indirect_vreg.gather [hbm4b:s11+s3], $0x80, v3, vm0, $0xb8;
	[tilespmem:$0x1E300] =	vst v63  }
0x92: {  	s0 =	simm.s32 $0x18300  }
0x93: {  	[tilespmem:s0], [sflag:$0x2] =	stream.indirect_vreg.gather [hbm4b:s12+s3], $0x80, v3, vm0, $0xb8;
	[tilespmem:$0x1E300] =	vst v63  }
0x94: {  	s0 =	simm.s32 $0x18B00  }
0x95: {  	[tilespmem:s0], [sflag:$0x2] =	stream.indirect_vreg.gather [hbm4b:s13+s3], $0x80, v3, vm0, $0xb8;
	[tilespmem:$0x1E300] =	vst v63  }
0x96: {  	v3 =	vld.msk [tilespmem:$0x28], $0xff;
	_ =	sdelay $0x4  }
0x97: {  	v63 =	vshrl.u32 v3, $0x3  }
0x98: {  	v4 =	vmul.u32 $0xA0, v63  }
0x99: {  	v3 =	vand.u32 $0x7, v3  }
0x9a: {  	v3 =	vor.u32 v3, v4  }
0x9b: {  	v3 =	vperm.xlane v3, v0;
	_ =	sdelay $0x1  }
0x9c: {  	v3 =	vadd.s32 v1, v3;
	_ =	sdelay $0x3  }
0x9d: {  	s0 =	simm.s32 $0x19300  }
0x9e: {  	[tilespmem:s0], [sflag:$0x2] =	stream.indirect_vreg.gather [hbm4b:s2+s3], $0x80, v3, vm0, $0xb8;
	[tilespmem:$0x1E300] =	vst v63  }
0x9f: {  	_ = 	snop  }
0xa0: {  	[tilespmem:s4], [sflag:$0x2] =	stream.indirect_vreg.gather [hbm4b:s5+s3], $0x80, v3, vm0, $0xb8;
	[tilespmem:$0x1E300] =	vst v63  }
0xa1: {  	_ = 	snop  }
0xa2: {  	[tilespmem:s14], [sflag:$0x2] =	stream.indirect_vreg.gather [hbm4b:s6+s3], $0x80, v3, vm0, $0xb8;
	[tilespmem:$0x1E300] =	vst v63  }
0xa3: {  	_ = 	snop  }
0xa4: {  	[tilespmem:s16], [sflag:$0x2] =	stream.indirect_vreg.gather [hbm4b:s7+s3], $0x80, v3, vm0, $0xb8;
	[tilespmem:$0x1E300] =	vst v63  }
0xa5: {  	_ = 	snop  }
0xa6: {  	[tilespmem:s18], [sflag:$0x2] =	stream.indirect_vreg.gather [hbm4b:s8+s3], $0x80, v3, vm0, $0xb8;
	[tilespmem:$0x1E300] =	vst v63  }
0xa7: {  	_ = 	snop  }
0xa8: {  	[tilespmem:s19], [sflag:$0x2] =	stream.indirect_vreg.gather [hbm4b:s9+s3], $0x80, v3, vm0, $0xb8;
	[tilespmem:$0x1E300] =	vst v63  }
0xa9: {  	_ = 	snop  }
0xaa: {  	[tilespmem:s20], [sflag:$0x2] =	stream.indirect_vreg.gather [hbm4b:s10+s3], $0x80, v3, vm0, $0xb8;
	[tilespmem:$0x1E300] =	vst v63  }
0xab: {  	_ = 	snop  }
0xac: {  	[tilespmem:s21], [sflag:$0x2] =	stream.indirect_vreg.gather [hbm4b:s11+s3], $0x80, v3, vm0, $0xb8;
	[tilespmem:$0x1E300] =	vst v63  }
0xad: {  	_ = 	snop  }
0xae: {  	[tilespmem:s22], [sflag:$0x2] =	stream.indirect_vreg.gather [hbm4b:s12+s3], $0x80, v3, vm0, $0xb8;
	[tilespmem:$0x1E300] =	vst v63  }
0xaf: {  	s29 =	simm.s32 $0x58;
	s31 =	simm.s32 $0x0  }
0xb0: {  	[tilespmem:s23], [sflag:$0x2] =	stream.indirect_vreg.gather [hbm4b:s13+s3], $0x80, v3, vm0, $0xb8;
	[tilespmem:$0x1E300] =	vst v63  }
.LBB2_2:
0xb1: {  	_ =	swait.ge [sflag:s24], $0xF000  }
0xb2: {  	p0 =	seq.s32 s31, $0x38400;
	[sflag:s24] =	ssyncset.done $0x0  }
.Ltmp2:
0xb3: {  	s0 =	sadd.s32 s31, s15;
	[sflag:s24] =	ssyncadd.s32 $0xFFFF1000;
	(pc) =	sbr.rel @p0 .LBB2_4-.Ltmp2, $4  }
0xb4: {  	[hbm4b:s0+s3] =	stream.linear.scatter [tilespmem:s17], [sflag:$0x3], $0xF000, $0x38;
	[tilespmem:$0x1E300] =	vst v63  }
0xb5: {  	_ =	swait.ge [sflag:s25], $0xF000  }
0xb6: {  	[sflag:s25] =	ssyncset.done $0x0  }
0xb7: {  	[sflag:s25] =	ssyncadd.s32 $0xFFFF1000  }
0xb8: {  	v3 =	vld [tilespmem:s29+$0xFFFFFFD8];
	_ =	sdelay $0x4  }
0xb9: {  	v4 =	vshrl.u32 v3, $0x3  }
0xba: {  	v4 =	vmul.u32 $0xA0, v4  }
0xbb: {  	v3 =	vand.u32 $0x7, v3  }
0xbc: {  	v3 =	vor.u32 v3, v4  }
0xbd: {  	v4 =	vperm.xlane v3, v0;
	_ =	sdelay $0x1  }
0xbe: {  	v4 =	vadd.s32 v1, v4;
	_ =	sdelay $0x4  }
0xbf: {  	[tilespmem:s17], [sflag:$0x1] =	stream.indirect_vreg.gather [hbm4b:s2+s3], $0x80, v4, vm0, $0xb8;
	[tilespmem:$0x1E300] =	vst v63  }
0xc0: {  	s1 =	simm.s32 $0xB00  }
0xc1: {  	[tilespmem:s1], [sflag:$0x1] =	stream.indirect_vreg.gather [hbm4b:s5+s3], $0x80, v4, vm0, $0xb8;
	[tilespmem:$0x1E300] =	vst v63  }
0xc2: {  	s1 =	simm.s32 $0x1300  }
0xc3: {  	[tilespmem:s1], [sflag:$0x1] =	stream.indirect_vreg.gather [hbm4b:s6+s3], $0x80, v4, vm0, $0xb8;
	[tilespmem:$0x1E300] =	vst v63  }
0xc4: {  	s1 =	simm.s32 $0x1B00  }
0xc5: {  	[tilespmem:s1], [sflag:$0x1] =	stream.indirect_vreg.gather [hbm4b:s7+s3], $0x80, v4, vm0, $0xb8;
	[tilespmem:$0x1E300] =	vst v63  }
0xc6: {  	s1 =	simm.s32 $0x2300  }
0xc7: {  	[tilespmem:s1], [sflag:$0x1] =	stream.indirect_vreg.gather [hbm4b:s8+s3], $0x80, v4, vm0, $0xb8;
	[tilespmem:$0x1E300] =	vst v63  }
0xc8: {  	s1 =	simm.s32 $0x2B00  }
0xc9: {  	[tilespmem:s1], [sflag:$0x1] =	stream.indirect_vreg.gather [hbm4b:s9+s3], $0x80, v4, vm0, $0xb8;
	[tilespmem:$0x1E300] =	vst v63  }
0xca: {  	s1 =	simm.s32 $0x3300  }
0xcb: {  	[tilespmem:s1], [sflag:$0x1] =	stream.indirect_vreg.gather [hbm4b:s10+s3], $0x80, v4, vm0, $0xb8;
	[tilespmem:$0x1E300] =	vst v63  }
0xcc: {  	v3 =	vperm.xlane v3, v2;
	s1 =	simm.s32 $0x3B00  }
0xcd: {  	[tilespmem:s1], [sflag:$0x1] =	stream.indirect_vreg.gather [hbm4b:s11+s3], $0x80, v4, vm0, $0xb8;
	[tilespmem:$0x1E300] =	vst v63  }
0xce: {  	v3 =	vadd.s32 v1, v3;
	s1 =	simm.s32 $0x4300  }
0xcf: {  	[tilespmem:s1], [sflag:$0x1] =	stream.indirect_vreg.gather [hbm4b:s12+s3], $0x80, v4, vm0, $0xb8;
	[tilespmem:$0x1E300] =	vst v63  }
0xd0: {  	s1 =	simm.s32 $0x4B00  }
0xd1: {  	[tilespmem:s1], [sflag:$0x1] =	stream.indirect_vreg.gather [hbm4b:s13+s3], $0x80, v4, vm0, $0xb8;
	[tilespmem:$0x1E300] =	vst v63  }
0xd2: {  	s1 =	simm.s32 $0x5300  }
0xd3: {  	[tilespmem:s1], [sflag:$0x1] =	stream.indirect_vreg.gather [hbm4b:s2+s3], $0x80, v3, vm0, $0xb8;
	[tilespmem:$0x1E300] =	vst v63  }
0xd4: {  	s1 =	simm.s32 $0x5B00  }
0xd5: {  	[tilespmem:s1], [sflag:$0x1] =	stream.indirect_vreg.gather [hbm4b:s5+s3], $0x80, v3, vm0, $0xb8;
	[tilespmem:$0x1E300] =	vst v63  }
0xd6: {  	s1 =	simm.s32 $0x6300  }
0xd7: {  	[tilespmem:s1], [sflag:$0x1] =	stream.indirect_vreg.gather [hbm4b:s6+s3], $0x80, v3, vm0, $0xb8;
	[tilespmem:$0x1E300] =	vst v63  }
0xd8: {  	s1 =	simm.s32 $0x6B00  }
0xd9: {  	[tilespmem:s1], [sflag:$0x1] =	stream.indirect_vreg.gather [hbm4b:s7+s3], $0x80, v3, vm0, $0xb8;
	[tilespmem:$0x1E300] =	vst v63  }
0xda: {  	s1 =	simm.s32 $0x7300  }
0xdb: {  	[tilespmem:s1], [sflag:$0x1] =	stream.indirect_vreg.gather [hbm4b:s8+s3], $0x80, v3, vm0, $0xb8;
	[tilespmem:$0x1E300] =	vst v63  }
0xdc: {  	s1 =	simm.s32 $0x7B00  }
0xdd: {  	[tilespmem:s1], [sflag:$0x1] =	stream.indirect_vreg.gather [hbm4b:s9+s3], $0x80, v3, vm0, $0xb8;
	[tilespmem:$0x1E300] =	vst v63  }
0xde: {  	s1 =	simm.s32 $0x8300  }
0xdf: {  	[tilespmem:s1], [sflag:$0x1] =	stream.indirect_vreg.gather [hbm4b:s10+s3], $0x80, v3, vm0, $0xb8;
	[tilespmem:$0x1E300] =	vst v63  }
0xe0: {  	s1 =	simm.s32 $0x8B00  }
0xe1: {  	[tilespmem:s1], [sflag:$0x1] =	stream.indirect_vreg.gather [hbm4b:s11+s3], $0x80, v3, vm0, $0xb8;
	[tilespmem:$0x1E300] =	vst v63  }
0xe2: {  	s1 =	simm.s32 $0x9300  }
0xe3: {  	[tilespmem:s1], [sflag:$0x1] =	stream.indirect_vreg.gather [hbm4b:s12+s3], $0x80, v3, vm0, $0xb8;
	[tilespmem:$0x1E300] =	vst v63  }
0xe4: {  	s1 =	simm.s32 $0x9B00  }
0xe5: {  	[tilespmem:s1], [sflag:$0x1] =	stream.indirect_vreg.gather [hbm4b:s13+s3], $0x80, v3, vm0, $0xb8;
	[tilespmem:$0x1E300] =	vst v63  }
0xe6: {  	v3 =	vld.msk [tilespmem:s29+$0xFFFFFFE8], $0xff;
	_ =	sdelay $0x4  }
0xe7: {  	v63 =	vshrl.u32 v3, $0x3  }
0xe8: {  	v4 =	vmul.u32 $0xA0, v63  }
0xe9: {  	v3 =	vand.u32 $0x7, v3  }
0xea: {  	v3 =	vor.u32 v3, v4  }
0xeb: {  	v3 =	vperm.xlane v3, v0;
	_ =	sdelay $0x1  }
0xec: {  	v3 =	vadd.s32 v1, v3;
	_ =	sdelay $0x3  }
0xed: {  	s1 =	simm.s32 $0xA300  }
0xee: {  	[tilespmem:s1], [sflag:$0x1] =	stream.indirect_vreg.gather [hbm4b:s2+s3], $0x80, v3, vm0, $0xb8;
	[tilespmem:$0x1E300] =	vst v63  }
0xef: {  	s1 =	simm.s32 $0xAB00  }
0xf0: {  	[tilespmem:s1], [sflag:$0x1] =	stream.indirect_vreg.gather [hbm4b:s5+s3], $0x80, v3, vm0, $0xb8;
	[tilespmem:$0x1E300] =	vst v63  }
0xf1: {  	s1 =	simm.s32 $0xB300  }
0xf2: {  	[tilespmem:s1], [sflag:$0x1] =	stream.indirect_vreg.gather [hbm4b:s6+s3], $0x80, v3, vm0, $0xb8;
	[tilespmem:$0x1E300] =	vst v63  }
0xf3: {  	s1 =	simm.s32 $0xBB00  }
0xf4: {  	[tilespmem:s1], [sflag:$0x1] =	stream.indirect_vreg.gather [hbm4b:s7+s3], $0x80, v3, vm0, $0xb8;
	[tilespmem:$0x1E300] =	vst v63  }
0xf5: {  	s1 =	simm.s32 $0xC300  }
0xf6: {  	[tilespmem:s1], [sflag:$0x1] =	stream.indirect_vreg.gather [hbm4b:s8+s3], $0x80, v3, vm0, $0xb8;
	[tilespmem:$0x1E300] =	vst v63  }
0xf7: {  	s1 =	simm.s32 $0xCB00  }
0xf8: {  	[tilespmem:s1], [sflag:$0x1] =	stream.indirect_vreg.gather [hbm4b:s9+s3], $0x80, v3, vm0, $0xb8;
	[tilespmem:$0x1E300] =	vst v63  }
0xf9: {  	s1 =	simm.s32 $0xD300  }
0xfa: {  	[tilespmem:s1], [sflag:$0x1] =	stream.indirect_vreg.gather [hbm4b:s10+s3], $0x80, v3, vm0, $0xb8;
	[tilespmem:$0x1E300] =	vst v63  }
0xfb: {  	s1 =	simm.s32 $0xDB00  }
0xfc: {  	[tilespmem:s1], [sflag:$0x1] =	stream.indirect_vreg.gather [hbm4b:s11+s3], $0x80, v3, vm0, $0xb8;
	[tilespmem:$0x1E300] =	vst v63  }
0xfd: {  	s1 =	simm.s32 $0xE300  }
0xfe: {  	[tilespmem:s1], [sflag:$0x1] =	stream.indirect_vreg.gather [hbm4b:s12+s3], $0x80, v3, vm0, $0xb8;
	[tilespmem:$0x1E300] =	vst v63  }
0xff: {  	s1 =	simm.s32 $0xEB00  }
0x100: {  	[tilespmem:s1], [sflag:$0x1] =	stream.indirect_vreg.gather [hbm4b:s13+s3], $0x80, v3, vm0, $0xb8;
	[tilespmem:$0x1E300] =	vst v63  }
0x101: {  	s1 =	simm.s32 $0xFB00  }
.LBB2_4:
0x102: {  	_ =	swait.ge [sflag:s26], $0xF000  }
0x103: {  	[sflag:s26] =	ssyncset.done $0x0  }
.Ltmp3:
0x104: {  	s0 =	sadd.s32 $0x1E00, s0;
	[sflag:s26] =	ssyncadd.s32 $0xFFFF1000;
	(pc) =	sbr.rel @p0 .LBB2_6-.Ltmp3, $4  }
0x105: {  	[hbm4b:s0+s3] =	stream.linear.scatter [tilespmem:s30], [sflag:$0x4], $0xF000, $0x38;
	[tilespmem:$0x1E300] =	vst v63  }
0x106: {  	_ =	swait.ge [sflag:s28], $0xF000  }
0x107: {  	[sflag:s28] =	ssyncset.done $0x0  }
0x108: {  	[sflag:s28] =	ssyncadd.s32 $0xFFFF1000  }
0x109: {  	v3 =	vld [tilespmem:s29+$0xFFFFFFF0];
	_ =	sdelay $0x4  }
0x10a: {  	v4 =	vshrl.u32 v3, $0x3  }
0x10b: {  	v4 =	vmul.u32 $0xA0, v4  }
0x10c: {  	v3 =	vand.u32 $0x7, v3  }
0x10d: {  	v3 =	vor.u32 v3, v4  }
0x10e: {  	v4 =	vperm.xlane v3, v0;
	_ =	sdelay $0x1  }
0x10f: {  	v4 =	vadd.s32 v1, v4;
	_ =	sdelay $0x4  }
0x110: {  	[tilespmem:s30], [sflag:$0x2] =	stream.indirect_vreg.gather [hbm4b:s2+s3], $0x80, v4, vm0, $0xb8;
	[tilespmem:$0x1E300] =	vst v63  }
0x111: {  	_ = 	snop  }
0x112: {  	[tilespmem:s1], [sflag:$0x2] =	stream.indirect_vreg.gather [hbm4b:s5+s3], $0x80, v4, vm0, $0xb8;
	[tilespmem:$0x1E300] =	vst v63  }
0x113: {  	s0 =	simm.s32 $0x10300  }
0x114: {  	[tilespmem:s0], [sflag:$0x2] =	stream.indirect_vreg.gather [hbm4b:s6+s3], $0x80, v4, vm0, $0xb8;
	[tilespmem:$0x1E300] =	vst v63  }
0x115: {  	s0 =	simm.s32 $0x10B00  }
0x116: {  	[tilespmem:s0], [sflag:$0x2] =	stream.indirect_vreg.gather [hbm4b:s7+s3], $0x80, v4, vm0, $0xb8;
	[tilespmem:$0x1E300] =	vst v63  }
0x117: {  	s0 =	simm.s32 $0x11300  }
0x118: {  	[tilespmem:s0], [sflag:$0x2] =	stream.indirect_vreg.gather [hbm4b:s8+s3], $0x80, v4, vm0, $0xb8;
	[tilespmem:$0x1E300] =	vst v63  }
0x119: {  	s0 =	simm.s32 $0x11B00  }
0x11a: {  	[tilespmem:s0], [sflag:$0x2] =	stream.indirect_vreg.gather [hbm4b:s9+s3], $0x80, v4, vm0, $0xb8;
	[tilespmem:$0x1E300] =	vst v63  }
0x11b: {  	s0 =	simm.s32 $0x12300  }
0x11c: {  	[tilespmem:s0], [sflag:$0x2] =	stream.indirect_vreg.gather [hbm4b:s10+s3], $0x80, v4, vm0, $0xb8;
	[tilespmem:$0x1E300] =	vst v63  }
0x11d: {  	v3 =	vperm.xlane v3, v2;
	s0 =	simm.s32 $0x12B00  }
0x11e: {  	[tilespmem:s0], [sflag:$0x2] =	stream.indirect_vreg.gather [hbm4b:s11+s3], $0x80, v4, vm0, $0xb8;
	[tilespmem:$0x1E300] =	vst v63  }
0x11f: {  	v3 =	vadd.s32 v1, v3;
	s0 =	simm.s32 $0x13300  }
0x120: {  	[tilespmem:s0], [sflag:$0x2] =	stream.indirect_vreg.gather [hbm4b:s12+s3], $0x80, v4, vm0, $0xb8;
	[tilespmem:$0x1E300] =	vst v63  }
0x121: {  	s0 =	simm.s32 $0x13B00  }
0x122: {  	[tilespmem:s0], [sflag:$0x2] =	stream.indirect_vreg.gather [hbm4b:s13+s3], $0x80, v4, vm0, $0xb8;
	[tilespmem:$0x1E300] =	vst v63  }
0x123: {  	s0 =	simm.s32 $0x14300  }
0x124: {  	[tilespmem:s0], [sflag:$0x2] =	stream.indirect_vreg.gather [hbm4b:s2+s3], $0x80, v3, vm0, $0xb8;
	[tilespmem:$0x1E300] =	vst v63  }
0x125: {  	s0 =	simm.s32 $0x14B00  }
0x126: {  	[tilespmem:s0], [sflag:$0x2] =	stream.indirect_vreg.gather [hbm4b:s5+s3], $0x80, v3, vm0, $0xb8;
	[tilespmem:$0x1E300] =	vst v63  }
0x127: {  	s0 =	simm.s32 $0x15300  }
0x128: {  	[tilespmem:s0], [sflag:$0x2] =	stream.indirect_vreg.gather [hbm4b:s6+s3], $0x80, v3, vm0, $0xb8;
	[tilespmem:$0x1E300] =	vst v63  }
0x129: {  	s0 =	simm.s32 $0x15B00  }
0x12a: {  	[tilespmem:s0], [sflag:$0x2] =	stream.indirect_vreg.gather [hbm4b:s7+s3], $0x80, v3, vm0, $0xb8;
	[tilespmem:$0x1E300] =	vst v63  }
0x12b: {  	s0 =	simm.s32 $0x16300  }
0x12c: {  	[tilespmem:s0], [sflag:$0x2] =	stream.indirect_vreg.gather [hbm4b:s8+s3], $0x80, v3, vm0, $0xb8;
	[tilespmem:$0x1E300] =	vst v63  }
0x12d: {  	s0 =	simm.s32 $0x16B00  }
0x12e: {  	[tilespmem:s0], [sflag:$0x2] =	stream.indirect_vreg.gather [hbm4b:s9+s3], $0x80, v3, vm0, $0xb8;
	[tilespmem:$0x1E300] =	vst v63  }
0x12f: {  	s0 =	simm.s32 $0x17300  }
0x130: {  	[tilespmem:s0], [sflag:$0x2] =	stream.indirect_vreg.gather [hbm4b:s10+s3], $0x80, v3, vm0, $0xb8;
	[tilespmem:$0x1E300] =	vst v63  }
0x131: {  	s0 =	simm.s32 $0x17B00  }
0x132: {  	[tilespmem:s0], [sflag:$0x2] =	stream.indirect_vreg.gather [hbm4b:s11+s3], $0x80, v3, vm0, $0xb8;
	[tilespmem:$0x1E300] =	vst v63  }
0x133: {  	s0 =	simm.s32 $0x18300  }
0x134: {  	[tilespmem:s0], [sflag:$0x2] =	stream.indirect_vreg.gather [hbm4b:s12+s3], $0x80, v3, vm0, $0xb8;
	[tilespmem:$0x1E300] =	vst v63  }
0x135: {  	s0 =	simm.s32 $0x18B00  }
0x136: {  	[tilespmem:s0], [sflag:$0x2] =	stream.indirect_vreg.gather [hbm4b:s13+s3], $0x80, v3, vm0, $0xb8;
	[tilespmem:$0x1E300] =	vst v63  }
0x137: {  	v3 =	vld.msk [tilespmem:s29+$0x0], $0xff;
	_ =	sdelay $0x4  }
0x138: {  	v63 =	vshrl.u32 v3, $0x3  }
0x139: {  	v4 =	vmul.u32 $0xA0, v63  }
0x13a: {  	v3 =	vand.u32 $0x7, v3  }
0x13b: {  	v3 =	vor.u32 v3, v4  }
0x13c: {  	v3 =	vperm.xlane v3, v0;
	_ =	sdelay $0x1  }
0x13d: {  	v3 =	vadd.s32 v1, v3;
	_ =	sdelay $0x3  }
0x13e: {  	s0 =	simm.s32 $0x19300  }
0x13f: {  	[tilespmem:s0], [sflag:$0x2] =	stream.indirect_vreg.gather [hbm4b:s2+s3], $0x80, v3, vm0, $0xb8;
	[tilespmem:$0x1E300] =	vst v63  }
0x140: {  	_ = 	snop  }
0x141: {  	[tilespmem:s4], [sflag:$0x2] =	stream.indirect_vreg.gather [hbm4b:s5+s3], $0x80, v3, vm0, $0xb8;
	[tilespmem:$0x1E300] =	vst v63  }
0x142: {  	_ = 	snop  }
0x143: {  	[tilespmem:s14], [sflag:$0x2] =	stream.indirect_vreg.gather [hbm4b:s6+s3], $0x80, v3, vm0, $0xb8;
	[tilespmem:$0x1E300] =	vst v63  }
0x144: {  	_ = 	snop  }
0x145: {  	[tilespmem:s16], [sflag:$0x2] =	stream.indirect_vreg.gather [hbm4b:s7+s3], $0x80, v3, vm0, $0xb8;
	[tilespmem:$0x1E300] =	vst v63  }
0x146: {  	_ = 	snop  }
0x147: {  	[tilespmem:s18], [sflag:$0x2] =	stream.indirect_vreg.gather [hbm4b:s8+s3], $0x80, v3, vm0, $0xb8;
	[tilespmem:$0x1E300] =	vst v63  }
0x148: {  	_ = 	snop  }
0x149: {  	[tilespmem:s19], [sflag:$0x2] =	stream.indirect_vreg.gather [hbm4b:s9+s3], $0x80, v3, vm0, $0xb8;
	[tilespmem:$0x1E300] =	vst v63  }
0x14a: {  	_ = 	snop  }
0x14b: {  	[tilespmem:s20], [sflag:$0x2] =	stream.indirect_vreg.gather [hbm4b:s10+s3], $0x80, v3, vm0, $0xb8;
	[tilespmem:$0x1E300] =	vst v63  }
0x14c: {  	_ = 	snop  }
0x14d: {  	[tilespmem:s21], [sflag:$0x2] =	stream.indirect_vreg.gather [hbm4b:s11+s3], $0x80, v3, vm0, $0xb8;
	[tilespmem:$0x1E300] =	vst v63  }
.Ltmp4:
0x14e: {  	_ = 	snop;
	(pc) =	sbr.rel .LBB2_2-.Ltmp4, $4  }
0x14f: {  	_ = 	snop  }
0x150: {  	[tilespmem:s22], [sflag:$0x2] =	stream.indirect_vreg.gather [hbm4b:s12+s3], $0x80, v3, vm0, $0xb8;
	[tilespmem:$0x1E300] =	vst v63  }
0x151: {  	s31 =	sadd.s32 $0x3C00, s31;
	s29 =	sadd.s32 $0x30, s29  }
0x152: {  	[tilespmem:s23], [sflag:$0x2] =	stream.indirect_vreg.gather [hbm4b:s13+s3], $0x80, v3, vm0, $0xb8;
	[tilespmem:$0x1E300] =	vst v63  }
.LBB2_7:
0x153: {  	_ =	sfence.sel $0x180000  }
0x154: {  	[bflag:$0x0] =	sbarrier.arrive $0xFFFF  }
0x155: {  	_ =	strace $0x90000047  }
0x156: {  	s0 =	stileid.u32;
	[bflag:$0x2] =	sbarrier.arrive $0xFFFF  }
0x157: {  	p0 =	sne.s32 s0, $0x0;
	s0 =	rddreg [dreg:$0x3]  }
0x158: {  	s0 =	sadd.s32 @!p0 $0x100000, s0  }
0x159: {  	[sflag:s0] =	ssyncadd.tile.s32 @!p0 $0x1;
	_ =	shalt  }
.Lfunc_end2:
_tile_overlayer_lowered:
.L_overlay_start_2:
0x15a: {  	(tag) =	ssettag $0x2  }
0x15b: {  	s0 =	rddreg [dreg:$0x0];
	s2 =	stileid.u32  }
0x15c: {  	s1 =	rddreg [dreg:$0x1];
	p0 =	sne.s32 s2, $0x0  }
0x15d: {  	s3 =	rddreg [dreg:$0x2];
	[bflag:$0x3] =	sbarrier.arrive $0xFFFF;
	s2 =	simm.s32 @!p0 $0x1C05  }
0x15e: {  	[timem:s3], [sflag:s2] =	dma.local @!p0 [hbm:s0], s1  }
0x15f: {  	s0 =	simm.s32 @!p0 $0x5  }
0x160: {  	_ =	swait.ge @!p0 [sflag:s0], s1  }
0x161: {  	s1 =	ssub.s32 @!p0 $0x0, s1;
	[sflag:s0] =	ssyncset.done @!p0 $0x0  }
0x162: {  	[sflag:s0] =	ssyncadd.s32 @!p0 s1  }
0x163: {  	[bflag:$0x3] =	sbarrier.arrive $0xFFFF  }
0x164: {  	_ =	shalt  }

// kernel: sparse-core-data-format-call.cloned.1.call-start
scs
called_computation_lowered:
.L_overlay_start_0:
0x0: {  	s2 =	sld [smem:$0x3FD9]  }
0x1: {  	s3 =	sld [smem:$0x3FFE];
	_ =	sdelay $0x1  }
0x2: {  	s1 =	srdreg.scid  }
0x3: {  	s0 =	sand.u32 $0x1, s1  }
0x4: {  	s18 =	sshll.u32 s0, $0xA;
	s2 =	sadd.s32 s3, s2  }
0x5: {  	s2 =	sadd.s32 s2, s18  }
0x6: {  	[smem:$0x3FC6] =	sst s2  }
0x7: {  	_ = 	snop  }
0x8: {  	s2 =	sld [smem:$0x3FD0];
	(tm) =	ssettm $0x1  }
0x9: {  	s19 =	sld [smem:$0x3FFB];
	_ =	sdelay $0x3  }
0xa: {  	_ =	strace s19  }
0xb: {  	s3 =	sld [smem:$0x3FFC];
	_ =	sdelay $0x3  }
0xc: {  	_ =	strace s3  }
0xd: {  	s3 =	sld [smem:$0x3FFD];
	_ =	sdelay $0x3  }
0xe: {  	_ =	strace s3  }
0xf: {  	_ =	strace $0x8FFFFFFF  }
0x10: {  	s20 =	sld [smem:$0x3FDB];
	_ =	sdelay $0x1  }
0x11: {  	s4 =	simm.s32 $_scs_section_size  }
0x12: {  	s5 =	simm.s32 $_size__tile_overlayer_lowered;
	s6 =	simm.s32 $_tile_overlayer_lowered  }
0x13: {  	s23 =	simm.s32 $0x1BFF;
	s22 =	sshll.u32 s6, $0x1;
	s3 =	sadd.s32 s4, s20  }
0x14: {  	s7 =	simm.s32 $0x0;
	s21 =	sshll.u32 s5, $0x1;
	s5 =	sadd.s32 s22, s3  }
0x15: {  	[timem:s7], [sflag:s23] =	dma.local [hbm:s5], s21  }
0x16: {  	_ =	swait.ge [sflag:s23], s21  }
0x17: {  	s4 =	ssub.s32 $0x0, s21;
	[sflag:s23] =	ssyncset.done $0x0  }
0x18: {  	[sflag:s23] =	ssyncadd.s32 s4;
	_ =	sdelay $0x1  }
0x19: {  	s24 =	simm.s32 $0x1B8B  }
0x1a: {  	_ =	swait.ge [sflag:s24], $0x1  }
0x1b: {  	[sflag:s24] =	ssyncset.done $0x0  }
0x1c: {  	s26 =	simm.s32 $0x1B8E;
	s25 =	sld [smem:$0x3FFE];
	[sflag:s24] =	ssyncadd.s32 $0xFFFFFFFF  }
0x1d: {  	s27 =	simm.s32 $execute0_lowered;
	[smem:$0x3FD2] =	sst s26  }
0x1e: {  	s5 =	sshll.u32 s27, $0x1;
	_ =	strace $0x80000049;
	[dreg:$0x1] =	wrdreg $0xFFFFFFFF  }
0x1f: {  	s28 =	simm.s32 $_size_execute0_lowered;
	s3 =	sadd.s32 s3, s5;
	[dreg:$0x0] =	wrdreg $0x0  }
0x20: {  	s5 =	sshll.u32 s28, $0x1;
	[dreg:$0x2] =	wrdreg s3  }
0x21: {  	[dreg:$0x3] =	wrdreg s5  }
0x22: {  	[dreg:$0x4] =	wrdreg $0xC0  }
0x23: {  	_ =	task [dreg:s7], $0x5FFFF  }
0x24: {  	[dreg:$0x1] =	wrdreg $0xFFFFFFFF  }
0x25: {  	[dreg:$0x0] =	wrdreg $0x60  }
0x26: {  	[dreg:$0x2] =	wrdreg s25  }
0x27: {  	[dreg:$0x3] =	wrdreg s2  }
0x28: {  	[dreg:$0x4] =	wrdreg $0x9  }
0x29: {  	_ =	task.clear_ibuf [dreg:s7], $0x5FFFF;
	_ =	strace $0x90000049  }
0x2a: {  	s29 =	simm.s32 $0x9;
	_ =	strace $0x8000004B  }
0x2b: {  	_ =	swait.ge [sflag:s29], $0x1  }
0x2c: {  	[sflag:s29] =	ssyncadd.s32 $0xFFFFFFFF  }
0x2d: {  	_ =	strace $0x9000004B  }
0x2e: {  	_ =	sfence  }
0x2f: {  	s30 =	sld [smem:$0x0];
	_ =	sdelay $0x2  }
0x30: {  	s31 =	sshll.u32 s1, $0xD;
	s1 =	sshrl.u32 s1, $0x2  }
0x31: {  	s3 =	sand.u32 $0x4000, s31;
	s1 =	sadd.s32 s1, s30  }
0x32: {  	s0 =	sor.u32 s3, s0;
	s1 =	sshll.u32 s1, $0x11  }
0x33: {  	s0 =	sor.u32 s1, s0  }
0x34: {  	s0 =	sadd.s32 $0x8F2B, s0  }
0x35: {  	[sflag:s0] =	ssyncadd.remote.s32 $0x1  }
0x36: {  	_ =	sfence.sel $0xFFFF  }
0x37: {  	[dreg:$0x0] =	wrdreg $0xFFFFFFFF;
	(pc) =	sbr.abs _section_cstart, $3  }
0x38: {  	[dreg:$0x1] =	wrdreg $0xFFFFFFFF  }
0x39: {  	_ =	task.clear_ibuf [dreg:s7], $0x2FFFF;
	_ =	strace $0x9FFFFFFF  }
0x3a: {  	(tm) =	ssettm $0x7FFFFFFF  }
0x3b: {  	_ =	shalt  }
tec
execute0_lowered:
.L_overlay_start_1:
0x0: {  	(tag) =	ssettag $0x1  }
0x1: {  	s4 =	rddreg [dreg:$0x0]  }
0x2: {  	s0 =	stileid.u32;
	s2 =	rddreg [dreg:$0x1]  }
0x3: {  	s7 =	srdreg.scid;
	s8 =	simm.s32 $0x2;
	s16 =	simm.s32 $0x0  }
0x4: {  	s9 =	simm.s32 $0x5000;
	s10 =	simm.s32 $0x0;
	s1 =	sshll.u32 s0, $0x7  }
0x5: {  	s15 =	simm.s32 $0x0;
	s17 =	simm.s32 $0x0;
	s3 =	sand.u32 $0x380, s1  }
0x6: {  	s11 =	simm.s32 $0x0;
	s14 =	simm.s32 $0x0;
	s5 =	ssub.s32 $0x400, s3  }
0x7: {  	s7 =	sshll.u32 s7, $0x4;
	s4 =	sadd.s32 $0x800, s4;
	s6 =	sand.u32 $0x380, s5  }
0x8: {  	s1 =	rddreg [dreg:$0x2];
	p0 =	sne.s32 s6, $0x0;
	s6 =	simm.s32 $0x1  }
.Ltmp0:
0x9: {  	s5 =	sshrl.u32 s5, $0xA;
	s6 =	simm.s32 @!p0 $0x0;
	(pc) =	sbr.rel .LBB1_1-.Ltmp0, $4  }
0xa: {  	_ =	strace $0x8000004A;
	s7 =	sand.u32 $0x10, s7;
	s6 =	sadd.s32 s6, s5  }
0xb: {  	s7 =	sor.u32 s0, s7;
	s5 =	simm.s32 $0x1;
	s6 =	smul.u32 $0x64, s6  }
0xc: {  	s13 =	smov.u32 s3;
	s7 =	sshrl.u32 s7, $0x3;
	[sflag:s5] =	ssyncpa.u1 $0x0  }
0xd: {  	s12 =	smov.u32 s7;
	[sflag:s8] =	ssyncpa.u1 $0x0;
	s8 =	sor.u32 $0x1, s6  }
.LBB1_4:
0xe: {  	_ =	sdelay $0x2  }
0xf: {  	s21 =	sshrl.u32 s17, $0x3  }
0x10: {  	[tilespmem:v0+s20+$0xFFFFFFD0 ss:$0x1] =	vst.idx.msk $0xffff, v7;
	s22 =	sshll.u32 s16, $0x3;
	s21 =	smul.u32 $0x5000, s21  }
0x11: {  	v56 =	vld.idx.msk [tilespmem:v1+s19+$0x0 ss:$0x1], $0xffff;
	[tilespmem:v0+s20+$0xFFFFFFE0 ss:$0x1] =	vst.idx.msk $0xffff, v5;
	s27 =	sshll.u32 s17, $0x7;
	s22 =	sand.u32 $0xFFFFFC00, s22  }
0x12: {  	v57 =	vld.idx.msk [tilespmem:v1+s19+$0xFFFFFF90 ss:$0x1], $0xffff;
	[tilespmem:v0+s20+$0xFFFFFFF0 ss:$0x1] =	vst.idx.msk $0xffff, v4;
	s17 =	sand.u32 $0x380, s27;
	s21 =	sadd.s32 s21, s22  }
0x13: {  	v58 =	vld.idx.msk [tilespmem:v1+s19+$0xFFFFFFA0 ss:$0x1], $0xffff;
	[tilespmem:v0+s20+$0x0 ss:$0x1] =	vst.idx.msk $0xffff, v2;
	s28 =	sand.u32 $0x7F, s16;
	s17 =	sor.u32 s17, s21  }
0x14: {  	v59 =	vld.idx.msk [tilespmem:v1+s19+$0xFFFFFFB0 ss:$0x1], $0xffff;
	[tilespmem:v0+s20+$0x10 ss:$0x1] =	vst.idx.msk $0xffff, v3;
	s16 =	sor.u32 s28, s17  }
0x15: {  	v60 =	vld.idx.msk [tilespmem:v1+s19+$0xFFFFFFC0 ss:$0x1], $0xffff;
	[tilespmem:v0+s20+$0x20 ss:$0x1] =	vst.idx.msk $0xffff, v6;
	s29 =	smulhi.u32 $0xCCCCCCCD, s16  }
0x16: {  	v61 =	vld.idx.msk [tilespmem:v1+s19+$0xFFFFFFD0 ss:$0x1], $0xffff;
	[tilespmem:v0+s19+$0x30 ss:$0x1] =	vst.idx.msk $0xffff, v56;
	s17 =	smulhi.u32 $0xCCCCCCCD, s17  }
0x17: {  	v62 =	vld.idx.msk [tilespmem:v1+s19+$0xFFFFFFE0 ss:$0x1], $0xffff;
	[tilespmem:v0+s19+$0xFFFFFFC0 ss:$0x1] =	vst.idx.msk $0xffff, v57;
	s20 =	sshrl.u32 s29, $0xB  }
0x18: {  	v63 =	vld.idx.msk [tilespmem:v1+s19+$0xFFFFFFF0 ss:$0x1], $0xffff;
	[tilespmem:v0+s19+$0xFFFFFFD0 ss:$0x1] =	vst.idx.msk $0xffff, v58;
	s17 =	sshrl.u32 s17, $0xB;
	s20 =	smul.u32 $0xA00, s20  }
0x19: {  	s15 =	smul.u32 $0x50000, s15;
	[tilespmem:v0+s19+$0xFFFFFFE0 ss:$0x1] =	vst.idx.msk $0xffff, v59;
	s17 =	sand.u32 $0x3FF, s17  }
0x1a: {  	[tilespmem:v0+s19+$0xFFFFFFF0 ss:$0x1] =	vst.idx.msk $0xffff, v60;
	s17 =	smul.u32 $0x140, s17;
	s16 =	ssub.s32 s16, s20  }
0x1b: {  	s15 =	sadd.s32 s2, s15;
	[tilespmem:v0+s19+$0x0 ss:$0x1] =	vst.idx.msk $0xffff, v61;
	s20 =	sand.u32 $0x7, s16  }
0x1c: {  	[tilespmem:v0+s19+$0x10 ss:$0x1] =	vst.idx.msk $0xffff, v62;
	s15 =	sadd.s32 s17, s15;
	s16 =	sshrl.u32 s16, $0x3;
	s30 =	sshll.u32 s20, $0x12  }
0x1d: {  	[tilespmem:v0+s19+$0x20 ss:$0x1] =	vst.idx.msk $0xffff, v63;
	s15 =	sadd.s32 s16, s15;
	s31 =	sor.u32 $0x400, s30  }
0x1e: {  	[hbm4b:s15+s31] =	stream.strided.scatter [tilespmem:s18], [sflag:$0x2], $0x4000, s9, s31, $0x38;
	[tilespmem:$0x10000] =	vst v63  }
.LBB1_5:
0x1f: {  	s18 =	sadd.s32 $0x80, s11  }
0x20: {  	s15 =	sadd.s32 $0x4, s12;
	s19 =	smov.u32 s12;
	p1 =	sgt.s32 s18, $0x9FF  }
0x21: {  	s19 =	smov.u32 @p1 s15  }
0x22: {  	s21 =	smov.u32 s13;
	s15 =	sadd.s32 $0x400, s13;
	p2 =	sgt.s32 s19, $0x13  }
0x23: {  	s21 =	smov.u32 @p2 s15  }
0x24: {  	s18 =	simm.s32 @p1 $0x0;
	p1 =	sgt.s32 s21, $0x3FF  }
0x25: {  	p0 =	slt.u32 s14, $0x2;
	s21 =	smov.u32 @p1 s3;
	p1 =	sne.s32 s14, s8  }
.Ltmp1:
0x26: {  	s20 =	simm.s32 @!p0 $0x2;
	(pc) =	sbr.rel @!p1 .LBB1_6-.Ltmp1, $4  }
0x27: {  	s16 =	smov.u32 s11;
	s17 =	smov.u32 s13;
	_ =	swait.ge @!p0 [sflag:s20], $0x4000  }
0x28: {  	s10 =	sadd.s32 $0x4000, s10;
	[sflag:s20] =	ssyncset.done @!p0 $0x0;
	s11 =	smov.u32 s18  }
0x29: {  	s19 =	smov.u32 @p2 s7;
	s15 =	smov.u32 s12;
	[sflag:s20] =	ssyncadd.s32 @!p0 $0xFFFFC000  }
0x2a: {  	s12 =	smov.u32 s19;
	s14 =	sadd.s32 $0x1, s14;
	s13 =	smov.u32 s21  }
.LBB1_1:
0x2b: {  	p0 =	sge.u32 s14, s6  }
0x2c: {  	s18 =	sshrl.u32 @!p0 s12, $0x3  }
0x2d: {  	s19 =	sshll.u32 @!p0 s11, $0x3;
	s18 =	smul.u32 @!p0 $0x5000, s18  }
0x2e: {  	s20 =	sshll.u32 @!p0 s12, $0x7;
	s19 =	sand.u32 @!p0 $0xFFFFFC00, s19  }
0x2f: {  	s18 =	sadd.s32 @!p0 s18, s19;
	s19 =	sand.u32 @!p0 $0x380, s20  }
0x30: {  	s18 =	sor.u32 @!p0 s19, s18  }
0x31: {  	s19 =	sand.u32 @!p0 $0x7F, s11;
	s20 =	smulhi.u32 @!p0 $0xCCCCCCCD, s18  }
0x32: {  	s18 =	sor.u32 @!p0 s19, s18  }
0x33: {  	s19 =	smulhi.u32 @!p0 $0xCCCCCCCD, s18;
	s20 =	sshrl.u32 @!p0 s20, $0xB  }
0x34: {  	s21 =	smulhi.u32 @!p0 $0xAAAAAAB, s20;
	_ =	sdelay $0x1  }
0x35: {  	s19 =	sshrl.u32 @!p0 s19, $0xB;
	s21 =	smul.u32 @!p0 $0x18, s21  }
0x36: {  	s31 =	sadd.s32 $0xFFFFFFFF, s14;
	s19 =	smul.u32 @!p0 $0xA00, s19  }
0x37: {  	s22 =	sxor.u32 @!p0 $0xFFFFFFFF, s14;
	s20 =	ssub.s32 @!p0 s20, s21;
	s21 =	smul.u32 @!p0 $0x1E00, s13  }
0x38: {  	s22 =	sshll.u32 @!p0 s22, $0xE;
	s18 =	ssub.s32 @!p0 s18, s19;
	s19 =	smul.u32 @!p0 $0x140, s20  }
0x39: {  	s20 =	sand.u32 @!p0 $0x4000, s22;
	s22 =	sand.u32 @!p0 $0x7, s18;
	s21 =	sadd.s32 @!p0 s4, s21  }
0x3a: {  	s18 =	sshrl.u32 @!p0 s18, $0x3;
	s19 =	sadd.s32 @!p0 s19, s21;
	s21 =	sshll.u32 @!p0 s22, $0x12  }
0x3b: {  	s18 =	sadd.s32 @!p0 s18, s19;
	s19 =	sor.u32 @!p0 $0x80, s21;
	s21 =	simm.s32 @!p0 $0xF000  }
0x3c: {  	[tilespmem:s20], [sflag:$0x1] =	stream.strided.gather @!p0 [hbm4b:s18+s19], $0x4000, s21, s19, $0x38;
	[tilespmem:$0x10000] =	vst v63  }
0x3d: {  	p0 =	sge.u32 s31, s6  }
.Ltmp2:
0x3e: {  	_ = 	snop;
	(pc) =	sbr.rel @p0 .LBB1_5-.Ltmp2, $1  }
0x3f: {  	_ =	sdelay $0x3  }
0x40: {  	s18 =	sand.u32 $0x4000, s10  }
0x41: {  	s19 =	sor.u32 $0x70, s18  }
0x42: {  	v1 =	vmov s19;
	_ =	sdelay $0x1  }
0x43: {  	_ =	swait.ge [sflag:s5], $0x4000  }
0x44: {  	[sflag:s5] =	ssyncset.done $0x0  }
0x45: {  	s20 =	simm.s32 $0x0;
	[sflag:s5] =	ssyncadd.s32 $0xFFFFC000  }
0x46: {  	s18 =	sor.u32 $0x8040, s18;
	v6 =	vld.idx.msk [tilespmem:v1+s20+$0x0 ss:$0x1], $0xffff  }
0x47: {  	v0 =	vmov s18;
	v8 =	vld.idx.msk [tilespmem:v1+s20+$0xFFFFFF90 ss:$0x1], $0xffff  }
0x48: {  	v7 =	vld.idx.msk [tilespmem:v1+s20+$0xFFFFFFA0 ss:$0x1], $0xffff  }
0x49: {  	v5 =	vld.idx.msk [tilespmem:v1+s20+$0xFFFFFFB0 ss:$0x1], $0xffff  }
0x4a: {  	v4 =	vld.idx.msk [tilespmem:v1+s20+$0xFFFFFFC0 ss:$0x1], $0xffff  }
0x4b: {  	s31 =	sshll.u32 s14, $0xE;
	v2 =	vld.idx.msk [tilespmem:v1+s20+$0xFFFFFFD0 ss:$0x1], $0xffff  }
0x4c: {  	s18 =	sand.u32 $0x4000, s31;
	v3 =	vld.idx.msk [tilespmem:v1+s20+$0xFFFFFFE0 ss:$0x1], $0xffff;
	[tilespmem:v0+s20+$0x30 ss:$0x1] =	vst.idx.msk $0xffff, v6  }
0x4d: {  	s21 =	simm.s32 $0x400;
	s19 =	simm.s32 $0x80;
	s18 =	sor.u32 $0x8000, s18;
	[tilespmem:v0+s20+$0xFFFFFFC0 ss:$0x1] =	vst.idx.msk $0xffff, v8;
	v6 =	vld.idx.msk [tilespmem:v1+s20+$0xFFFFFFF0 ss:$0x1], $0xffff  }
.LBB1_3:
0x4e: {  	p0 =	sne.s32 s21, $0xFE00;
	v8 =	vld.idx.msk [tilespmem:v1+s19+$0x0 ss:$0x1], $0xffff;
	[tilespmem:v0+s20+$0xFFFFFFD0 ss:$0x1] =	vst.idx.msk $0xffff, v7  }
0x4f: {  	v9 =	vld.idx.msk [tilespmem:v1+s19+$0xFFFFFF90 ss:$0x1], $0xffff;
	[tilespmem:v0+s20+$0xFFFFFFE0 ss:$0x1] =	vst.idx.msk $0xffff, v5  }
0x50: {  	v7 =	vld.idx.msk [tilespmem:v1+s19+$0xFFFFFFA0 ss:$0x1], $0xffff;
	[tilespmem:v0+s20+$0xFFFFFFF0 ss:$0x1] =	vst.idx.msk $0xffff, v4  }
.Ltmp3:
0x51: {  	v5 =	vld.idx.msk [tilespmem:v1+s19+$0xFFFFFFB0 ss:$0x1], $0xffff;
	[tilespmem:v0+s20+$0x0 ss:$0x1] =	vst.idx.msk $0xffff, v2;
	(pc) =	sbr.rel @p0 .LBB1_3-.Ltmp3, $4  }
0x52: {  	v4 =	vld.idx.msk [tilespmem:v1+s19+$0xFFFFFFC0 ss:$0x1], $0xffff;
	[tilespmem:v0+s20+$0x10 ss:$0x1] =	vst.idx.msk $0xffff, v3  }
0x53: {  	v2 =	vld.idx.msk [tilespmem:v1+s19+$0xFFFFFFD0 ss:$0x1], $0xffff;
	[tilespmem:v0+s20+$0x20 ss:$0x1] =	vst.idx.msk $0xffff, v6;
	s20 =	smov.u32 s19  }
0x54: {  	v3 =	vld.idx.msk [tilespmem:v1+s20+$0xFFFFFFE0 ss:$0x1], $0xffff;
	[tilespmem:v0+s20+$0x30 ss:$0x1] =	vst.idx.msk $0xffff, v8  }
0x55: {  	s19 =	sshra.s32 s21, $0x2;
	s21 =	sadd.s32 $0x200, s21;
	[tilespmem:v0+s20+$0xFFFFFFC0 ss:$0x1] =	vst.idx.msk $0xffff, v9;
	v6 =	vld.idx.msk [tilespmem:v1+s20+$0xFFFFFFF0 ss:$0x1], $0xffff  }
.Ltmp4:
0x56: {  	_ = 	snop;
	(pc) =	sbr.rel .LBB1_4-.Ltmp4, $1  }
0x57: {  	_ =	sdelay $0x3  }
.LBB1_6:
0x58: {  	_ =	sfence.sel $0x180000  }
0x59: {  	s2 =	simm.s32 $0x1;
	[bflag:$0x0] =	sbarrier.arrive $0xFFFF  }
0x5a: {  	s31 =	simm.s32 $0x2;
	[sflag:s2] =	ssyncpa.u1 $0x1  }
0x5b: {  	[sflag:s31] =	ssyncpa.u1 $0x1  }
0x5c: {  	p0 =	sne.s32 s0, $0x0;
	_ =	strace $0x9000004A  }
0x5d: {  	s0 =	sadd.s32 @!p0 $0x100000, s1;
	[bflag:$0x2] =	sbarrier.arrive $0xFFFF  }
0x5e: {  	[sflag:s0] =	ssyncadd.tile.s32 @!p0 $0x1;
	_ =	shalt  }
.Lfunc_end1:
_tile_overlayer_lowered:
.L_overlay_start_2:
0x5f: {  	(tag) =	ssettag $0x2  }
0x60: {  	s0 =	rddreg [dreg:$0x0];
	s2 =	stileid.u32  }
0x61: {  	s1 =	rddreg [dreg:$0x1];
	p0 =	sne.s32 s2, $0x0  }
0x62: {  	s3 =	rddreg [dreg:$0x2];
	[bflag:$0x3] =	sbarrier.arrive $0xFFFF;
	s2 =	simm.s32 @!p0 $0x1C01  }
0x63: {  	[timem:s3], [sflag:s2] =	dma.local @!p0 [hbm:s0], s1  }
0x64: {  	s0 =	simm.s32 @!p0 $0x1  }
0x65: {  	_ =	swait.ge @!p0 [sflag:s0], s1  }
0x66: {  	s1 =	ssub.s32 @!p0 $0x0, s1;
	[sflag:s0] =	ssyncset.done @!p0 $0x0  }
0x67: {  	[sflag:s0] =	ssyncadd.s32 @!p0 s1  }
0x68: {  	[bflag:$0x3] =	sbarrier.arrive $0xFFFF  }
0x69: {  	_ =	shalt  }

</sc_bundles>
